<compile_context>
chip_gen: v7x
topology: tpu7x:2x2x1
jax: 0.10.2.dev20260603
libtpu: 0.0.44.dev20260713+nightly
codegen_flags: <defaults>
</compile_context>

<pallas_src>
import functools

import jax
import jax.numpy as jnp
from jax import lax
from jax.experimental import pallas as pl
from jax.experimental.pallas import tpu as pltpu
from jax.experimental.pallas import tpu_sc as plsc

HIDDEN = 1024
FFN = 1024
NUM_EXPERTS = 64
TOP_K = 2
TOKENS = 128

SC_NC = 2
SC_NS = 16
SC_LANES = 16
SC_WORKERS = SC_NC * SC_NS
TOK_PER_WORKER = TOKENS // SC_WORKERS
NCHUNK = NUM_EXPERTS // SC_LANES


def _gate_kernel(x_ref, gw_ref, logits_ref):
    logits_ref[...] = jax.lax.dot_general(
        x_ref[...], gw_ref[...], (((1,), (0,)), ((), ())),
        preferred_element_type=jnp.float32,
    )


def _sc_router(logits_hbm, comb_hbm, lrows, crows):
    wid = lax.axis_index("s") * SC_NC + lax.axis_index("c")
    base = wid * TOK_PER_WORKER
    pltpu.sync_copy(logits_hbm.at[pl.ds(base, TOK_PER_WORKER)], lrows)
    iota = lax.iota(jnp.int32, SC_LANES)
    bigi = jnp.full((SC_LANES,), jnp.int32(2 * NUM_EXPERTS), jnp.int32)
    negv = jnp.full((SC_LANES,), jnp.float32(-1e30), jnp.float32)
    zerov = jnp.zeros((SC_LANES,), jnp.float32)
    for t in range(TOK_PER_WORKER):
        chunks = [lrows[t, pl.ds(c * SC_LANES, SC_LANES)] for c in range(NCHUNK)]
        iotas = [iota + c * SC_LANES for c in range(NCHUNK)]
        m = chunks[0]
        for c in range(1, NCHUNK):
            m = jnp.maximum(m, chunks[c])
        l1 = jnp.max(m)
        i1 = jnp.int32(2 * NUM_EXPERTS)
        for c in range(NCHUNK):
            l1v = jnp.full((SC_LANES,), l1, jnp.float32)
            cand = jnp.min(jnp.where(chunks[c] == l1v, iotas[c], bigi))
            i1 = jnp.minimum(i1, cand)
        i1v = jnp.full((SC_LANES,), i1, jnp.int32)
        chunks2 = [
            jnp.where(iotas[c] == i1v, negv, chunks[c]) for c in range(NCHUNK)
        ]
        m2 = chunks2[0]
        for c in range(1, NCHUNK):
            m2 = jnp.maximum(m2, chunks2[c])
        l2 = jnp.max(m2)
        i2 = jnp.int32(2 * NUM_EXPERTS)
        for c in range(NCHUNK):
            l2v = jnp.full((SC_LANES,), l2, jnp.float32)
            cand = jnp.min(jnp.where(chunks2[c] == l2v, iotas[c], bigi))
            i2 = jnp.minimum(i2, cand)
        i2v = jnp.full((SC_LANES,), i2, jnp.int32)
        dv = jnp.full((SC_LANES,), l2 - l1, jnp.float32)
        ev = jnp.exp(dv)
        w1v = 1.0 / (1.0 + ev)
        w2v = 1.0 - w1v
        for c in range(NCHUNK):
            outv = jnp.where(iotas[c] == i1v, w1v, zerov)
            outv = jnp.where(iotas[c] == i2v, w2v, outv)
            crows[t, pl.ds(c * SC_LANES, SC_LANES)] = outv
    pltpu.sync_copy(crows, comb_hbm.at[pl.ds(base, TOK_PER_WORKER)])


_sc_router_call = functools.partial(
    pl.kernel,
    mesh=plsc.VectorSubcoreMesh(core_axis_name="c", subcore_axis_name="s"),
    out_type=jax.ShapeDtypeStruct((TOKENS, NUM_EXPERTS), jnp.float32),
    scratch_types=[
        pltpu.VMEM((TOK_PER_WORKER, NUM_EXPERTS), jnp.float32),
        pltpu.VMEM((TOK_PER_WORKER, NUM_EXPERTS), jnp.float32),
    ],
    compiler_params=pltpu.CompilerParams(needs_layout_passes=False),
)(_sc_router)


def _expert_kernel(x_ref, w1_ref, w2_ref, comb_ref, out_ref):
    e = pl.program_id(0)

    @pl.when(e == 0)
    def _():
        out_ref[...] = jnp.zeros_like(out_ref)

    x = x_ref[...].astype(jnp.bfloat16)
    w1e = w1_ref[0].astype(jnp.bfloat16)
    h = jax.lax.dot_general(
        x, w1e, (((1,), (1,)), ((), ())), preferred_element_type=jnp.float32
    )
    gate = h[:, :FFN]
    up = h[:, FFN:]
    act = gate * jax.lax.logistic(gate) * up
    w2e = w2_ref[0].astype(jnp.bfloat16)
    eo = jax.lax.dot_general(
        act.astype(jnp.bfloat16), w2e, (((1,), (1,)), ((), ())),
        preferred_element_type=jnp.float32,
    )
    comb = comb_ref[...]
    col = jax.lax.broadcasted_iota(jnp.int32, comb.shape, 1)
    cw = jnp.sum(jnp.where(col == e, comb, 0.0), axis=1, keepdims=True)
    out_ref[...] += cw * eo


@jax.jit
def kernel(hidden_states, gate_w, w1, w2):
    logits = pl.pallas_call(
        _gate_kernel,
        out_shape=jax.ShapeDtypeStruct((TOKENS, NUM_EXPERTS), jnp.float32),
    )(hidden_states, gate_w)

    comb = _sc_router_call(logits)

    out = pl.pallas_call(
        _expert_kernel,
        grid=(NUM_EXPERTS,),
        in_specs=[
            pl.BlockSpec((TOKENS, HIDDEN), lambda e: (0, 0)),
            pl.BlockSpec((1, 2 * FFN, HIDDEN), lambda e: (e, 0, 0)),
            pl.BlockSpec((1, HIDDEN, FFN), lambda e: (e, 0, 0)),
            pl.BlockSpec((TOKENS, NUM_EXPERTS), lambda e: (0, 0)),
        ],
        out_specs=pl.BlockSpec((TOKENS, HIDDEN), lambda e: (0, 0)),
        out_shape=jax.ShapeDtypeStruct((TOKENS, HIDDEN), jnp.float32),
    )(hidden_states, w1, w2, comb)

    return (out, logits)

# --- scband reference (transcript-rebuilt; emitter-appended) ---
"""Pipeline reference for scband-tbstars2-mo-esparse-block-18614388261194 (READ-ONLY COPY).

The authoritative reference and input builder live on the scoring server;
editing this copy changes nothing except your own understanding.
"""

import jax, jax.numpy as jnp
import numpy as np

HIDDEN = 1024
FFN = 1024
NUM_EXPERTS = 64
TOP_K = 2
TOKENS = 128


def setup_inputs(seed: int = 0) -> dict:
    key = jax.random.key(seed)
    k0, k1, k2, k3 = jax.random.split(key, 4)
    hidden_states = jax.random.normal(k0, (TOKENS, HIDDEN), dtype=jnp.float32)
    # learned parameters sized per init_kwargs
    gate_w = jax.random.normal(k1, (HIDDEN, NUM_EXPERTS), dtype=jnp.float32) * 0.02
    # fused gate+up projection per expert: [E, 2*ffn, hidden]
    w1 = jax.random.normal(k2, (NUM_EXPERTS, 2 * FFN, HIDDEN), dtype=jnp.float32) * 0.02
    # down projection per expert: [E, hidden, ffn]
    w2 = jax.random.normal(k3, (NUM_EXPERTS, HIDDEN, FFN), dtype=jnp.float32) * 0.02
    return {"hidden_states": hidden_states, "gate_w": gate_w, "w1": w1, "w2": w2}


def reference(hidden_states, gate_w, w1, w2):
    seq_len, hidden_dim = hidden_states.shape
    # router
    router_logits = hidden_states @ gate_w
    router_logits_fp32 = router_logits.astype(jnp.float32)
    # SelectTopkOp: softmax -> top-k -> renormalize
    probs = jax.nn.softmax(router_logits_fp32, axis=-1)
    routing_weights, selected_experts = jax.lax.top_k(probs, TOP_K)
    routing_weights = routing_weights / jnp.sum(routing_weights, axis=-1, keepdims=True)
    selected_experts = selected_experts.astype(jnp.int32)
    # FusedMoEOp: per-expert SwiGLU FFN, combined by routing weights
    h = jnp.einsum('td,efd->etf', hidden_states, w1)  # [E, T, 2*ffn]
    gate_h = h[..., :FFN]
    up_h = h[..., FFN:]
    act = jax.nn.silu(gate_h) * up_h  # [E, T, ffn]
    expert_out = jnp.einsum('etf,edf->etd', act, w2)  # [E, T, hidden]
    # combine weights: scatter routing weights into dense [T, E] via one-hot
    combine = jnp.sum(
        routing_weights[..., None] * jax.nn.one_hot(selected_experts, NUM_EXPERTS, dtype=jnp.float32),
        axis=1,
    )  # [T, E]
    final_hidden_states = jnp.einsum('etd,te->td', expert_out, combine).astype(hidden_states.dtype)
    return (final_hidden_states, router_logits)

if __name__ == "__main__":
    import jax
    _d = setup_inputs()
    print(jax.jit(kernel)(*tuple(_d.values())))

</pallas_src>

<mosaic_0001>
#map = affine_map<(d0, d1) -> (0, 0)>
module attributes {stable_mosaic.version = 14 : i64} {
  func.func @_sc_router(%arg0: i32, %arg1: i32, %arg2: memref<128x64xf32, #tpu.memory_space<hbm>>, %arg3: memref<128x64xf32, #tpu.memory_space<hbm>>, %arg4: memref<4x64xf32, #tpu.memory_space<vmem>>, %arg5: memref<4x64xf32, #tpu.memory_space<vmem>>) attributes {dimension_semantics = [#tpu.dimension_semantics<core_parallel>, #tpu.dimension_semantics<subcore_parallel>], iteration_bounds = array<i64: 2, 16>, scalar_prefetch = 0 : i64, scratch_operands = 2 : i64, tpu.core_type = #tpu.core_type<sc_vector_subcore>, window_params = [{transform_indices = #map}, {transform_indices = #map}]} {
    %mul3A = arith.constant 2 : i32
    %mul3A_0 = arith.muli %arg1, %mul3A : i32
    %add3A = arith.addi %mul3A_0, %arg0 : i32
    %mul3A_1 = arith.constant 4 : i32
    %mul3A_2 = arith.muli %add3A, %mul3A_1 : i32
    "tpu.region"() ({
      %run_scoped3A = tpu.sem_alloc : memref<!tpu.dma_semaphore, #tpu.memory_space<semaphore_mem>>
      %dma_start3A = arith.constant 0 : i32
      %dma_start3A_773 = tpu.memref_slice %arg2[%mul3A_2, %dma_start3A] : memref<128x64xf32, #tpu.memory_space<hbm>> -> memref<4x64xf32, #tpu.memory_space<hbm>>
      %dma_start3A_774 = arith.constant 0 : i32
      %dma_start3A_775 = tpu.memref_slice %arg2[%mul3A_2, %dma_start3A_774] : memref<128x64xf32, #tpu.memory_space<hbm>> -> memref<4x64xf32, #tpu.memory_space<hbm>>
      tpu.enqueue_dma source(%dma_start3A_775 : memref<4x64xf32, #tpu.memory_space<hbm>>) target(%arg4 : memref<4x64xf32, #tpu.memory_space<vmem>>) target_semaphore(%run_scoped3A : memref<!tpu.dma_semaphore, #tpu.memory_space<semaphore_mem>>)
      %dma_wait3A = arith.constant 0 : i32
      %dma_wait3A_776 = tpu.memref_slice %arg2[%mul3A_2, %dma_wait3A] : memref<128x64xf32, #tpu.memory_space<hbm>> -> memref<4x64xf32, #tpu.memory_space<hbm>>
      %dma_wait3A_777 = arith.constant 0 : i32
      %dma_wait3A_778 = tpu.memref_slice %arg2[%mul3A_2, %dma_wait3A_777] : memref<128x64xf32, #tpu.memory_space<hbm>> -> memref<4x64xf32, #tpu.memory_space<hbm>>
      tpu.wait_dma2 semaphore(%run_scoped3A : memref<!tpu.dma_semaphore, #tpu.memory_space<semaphore_mem>>) src(%dma_wait3A_778 : memref<4x64xf32, #tpu.memory_space<hbm>>) dst(%arg4 : memref<4x64xf32, #tpu.memory_space<vmem>>)
      tpu.yield
    }) : () -> ()
    %iota3A = tpu.iota {dimensions = array<i32: 0>} : vector<16xi32>
    %broadcast_in_dim3A = arith.constant 128 : i32
    %broadcast_in_dim3A_3 = vector.broadcast %broadcast_in_dim3A : i32 to vector<16xi32>
    %broadcast_in_dim3A_4 = arith.constant -1.000000e+30 : f32
    %broadcast_in_dim3A_5 = vector.broadcast %broadcast_in_dim3A_4 : f32 to vector<16xf32>
    %broadcast_in_dim3A_6 = arith.constant 0.000000e+00 : f32
    %broadcast_in_dim3A_7 = vector.broadcast %broadcast_in_dim3A_6 : f32 to vector<16xf32>
    %get3A = arith.constant 0 : i32
    %get3A_8 = arith.index_cast %get3A : i32 to index
    %get3A_9 = arith.constant 0 : index
    %get3A_10 = tpu.vector_load %arg4[%get3A_8, %get3A_9] {strides = array<i32>} : memref<4x64xf32, #tpu.memory_space<vmem>>, vector<16xf32>,
    %get3A_11 = arith.constant 0 : i32
    %get3A_12 = arith.index_cast %get3A_11 : i32 to index
    %get3A_13 = arith.constant 16 : index
    %get3A_14 = tpu.vector_load %arg4[%get3A_12, %get3A_13] {strides = array<i32>} : memref<4x64xf32, #tpu.memory_space<vmem>>, vector<16xf32>,
    %get3A_15 = arith.constant 0 : i32
    %get3A_16 = arith.index_cast %get3A_15 : i32 to index
    %get3A_17 = arith.constant 32 : index
    %get3A_18 = tpu.vector_load %arg4[%get3A_16, %get3A_17] {strides = array<i32>} : memref<4x64xf32, #tpu.memory_space<vmem>>, vector<16xf32>,
    %get3A_19 = arith.constant 0 : i32
    %get3A_20 = arith.index_cast %get3A_19 : i32 to index
    %get3A_21 = arith.constant 48 : index
    %get3A_22 = tpu.vector_load %arg4[%get3A_20, %get3A_21] {strides = array<i32>} : memref<4x64xf32, #tpu.memory_space<vmem>>, vector<16xf32>,
    %add3A_23 = arith.constant 0 : i32
    %add3A_24 = vector.broadcast %add3A_23 : i32 to vector<16xi32>
    %add3A_25 = arith.addi %iota3A, %add3A_24 : vector<16xi32>
    %add3A_26 = arith.constant 16 : i32
    %add3A_27 = vector.broadcast %add3A_26 : i32 to vector<16xi32>
    %add3A_28 = arith.addi %iota3A, %add3A_27 : vector<16xi32>
    %add3A_29 = arith.constant 32 : i32
    %add3A_30 = vector.broadcast %add3A_29 : i32 to vector<16xi32>
    %add3A_31 = arith.addi %iota3A, %add3A_30 : vector<16xi32>
    %add3A_32 = arith.constant 48 : i32
    %add3A_33 = vector.broadcast %add3A_32 : i32 to vector<16xi32>
    %add3A_34 = arith.addi %iota3A, %add3A_33 : vector<16xi32>
    %max3A = arith.maximumf %get3A_10, %get3A_14 : vector<16xf32>
    %max3A_35 = arith.maximumf %max3A, %get3A_18 : vector<16xf32>
    %max3A_36 = arith.maximumf %max3A_35, %get3A_22 : vector<16xf32>
    %reduce_max3A = arith.constant true
    %reduce_max3A_37 = vector.broadcast %reduce_max3A : i1 to vector<16xi1>
    %reduce_max3A_38 = tpu.scan <max>, %max3A_36 masked %reduce_max3A_37 : vector<16xf32>, vector<16xi1> -> vector<16xf32>
    %reduce_max3A_39 = vector.extract %reduce_max3A_38[15] : f32 from vector<16xf32>
    %broadcast_in_dim3A_40 = vector.broadcast %reduce_max3A_39 : f32 to vector<16xf32>
    %eq3A = arith.cmpf oeq, %get3A_10, %broadcast_in_dim3A_40 : vector<16xf32>
    %select_n3A = arith.select %eq3A, %add3A_25, %broadcast_in_dim3A_3 : vector<16xi1>, vector<16xi32>
    %reduce_min3A = arith.constant true
    %reduce_min3A_41 = vector.broadcast %reduce_min3A : i1 to vector<16xi1>
    %reduce_min3A_42 = arith.constant -2147483648 : i32
    %reduce_min3A_43 = vector.broadcast %reduce_min3A_42 : i32 to vector<16xi32>
    %reduce_min3A_44 = arith.xori %select_n3A, %reduce_min3A_43 : vector<16xi32>
    %reduce_min3A_45 = tpu.scan <min>, %reduce_min3A_44 masked %reduce_min3A_41 : vector<16xi32>, vector<16xi1> -> vector<16xi32>
    %reduce_min3A_46 = arith.xori %reduce_min3A_45, %reduce_min3A_43 : vector<16xi32>
    %reduce_min3A_47 = vector.extract %reduce_min3A_46[15] : i32 from vector<16xi32>
    %min3A = arith.constant 128 : i32
    %min3A_48 = arith.minsi %min3A, %reduce_min3A_47 : i32
    %broadcast_in_dim3A_49 = vector.broadcast %reduce_max3A_39 : f32 to vector<16xf32>
    %eq3A_50 = arith.cmpf oeq, %get3A_14, %broadcast_in_dim3A_49 : vector<16xf32>
    %select_n3A_51 = arith.select %eq3A_50, %add3A_28, %broadcast_in_dim3A_3 : vector<16xi1>, vector<16xi32>
    %reduce_min3A_52 = arith.constant true
    %reduce_min3A_53 = vector.broadcast %reduce_min3A_52 : i1 to vector<16xi1>
    %reduce_min3A_54 = arith.constant -2147483648 : i32
    %reduce_min3A_55 = vector.broadcast %reduce_min3A_54 : i32 to vector<16xi32>
    %reduce_min3A_56 = arith.xori %select_n3A_51, %reduce_min3A_55 : vector<16xi32>
    %reduce_min3A_57 = tpu.scan <min>, %reduce_min3A_56 masked %reduce_min3A_53 : vector<16xi32>, vector<16xi1> -> vector<16xi32>
    %reduce_min3A_58 = arith.xori %reduce_min3A_57, %reduce_min3A_55 : vector<16xi32>
    %reduce_min3A_59 = vector.extract %reduce_min3A_58[15] : i32 from vector<16xi32>
    %min3A_60 = arith.minsi %min3A_48, %reduce_min3A_59 : i32
    %broadcast_in_dim3A_61 = vector.broadcast %reduce_max3A_39 : f32 to vector<16xf32>
    %eq3A_62 = arith.cmpf oeq, %get3A_18, %broadcast_in_dim3A_61 : vector<16xf32>
    %select_n3A_63 = arith.select %eq3A_62, %add3A_31, %broadcast_in_dim3A_3 : vector<16xi1>, vector<16xi32>
    %reduce_min3A_64 = arith.constant true
    %reduce_min3A_65 = vector.broadcast %reduce_min3A_64 : i1 to vector<16xi1>
    %reduce_min3A_66 = arith.constant -2147483648 : i32
    %reduce_min3A_67 = vector.broadcast %reduce_min3A_66 : i32 to vector<16xi32>
    %reduce_min3A_68 = arith.xori %select_n3A_63, %reduce_min3A_67 : vector<16xi32>
    %reduce_min3A_69 = tpu.scan <min>, %reduce_min3A_68 masked %reduce_min3A_65 : vector<16xi32>, vector<16xi1> -> vector<16xi32>
    %reduce_min3A_70 = arith.xori %reduce_min3A_69, %reduce_min3A_67 : vector<16xi32>
    %reduce_min3A_71 = vector.extract %reduce_min3A_70[15] : i32 from vector<16xi32>
    %min3A_72 = arith.minsi %min3A_60, %reduce_min3A_71 : i32
    %broadcast_in_dim3A_73 = vector.broadcast %reduce_max3A_39 : f32 to vector<16xf32>
    %eq3A_74 = arith.cmpf oeq, %get3A_22, %broadcast_in_dim3A_73 : vector<16xf32>
    %select_n3A_75 = arith.select %eq3A_74, %add3A_34, %broadcast_in_dim3A_3 : vector<16xi1>, vector<16xi32>
    %reduce_min3A_76 = arith.constant true
    %reduce_min3A_77 = vector.broadcast %reduce_min3A_76 : i1 to vector<16xi1>
    %reduce_min3A_78 = arith.constant -2147483648 : i32
    %reduce_min3A_79 = vector.broadcast %reduce_min3A_78 : i32 to vector<16xi32>
    %reduce_min3A_80 = arith.xori %select_n3A_75, %reduce_min3A_79 : vector<16xi32>
    %reduce_min3A_81 = tpu.scan <min>, %reduce_min3A_80 masked %reduce_min3A_77 : vector<16xi32>, vector<16xi1> -> vector<16xi32>
    %reduce_min3A_82 = arith.xori %reduce_min3A_81, %reduce_min3A_79 : vector<16xi32>
    %reduce_min3A_83 = vector.extract %reduce_min3A_82[15] : i32 from vector<16xi32>
    %min3A_84 = arith.minsi %min3A_72, %reduce_min3A_83 : i32
    %broadcast_in_dim3A_85 = vector.broadcast %min3A_84 : i32 to vector<16xi32>
    %eq3A_86 = arith.cmpi eq, %add3A_25, %broadcast_in_dim3A_85 : vector<16xi32>
    %select_n3A_87 = arith.select %eq3A_86, %broadcast_in_dim3A_5, %get3A_10 : vector<16xi1>, vector<16xf32>
    %eq3A_88 = arith.cmpi eq, %add3A_28, %broadcast_in_dim3A_85 : vector<16xi32>
    %select_n3A_89 = arith.select %eq3A_88, %broadcast_in_dim3A_5, %get3A_14 : vector<16xi1>, vector<16xf32>
    %eq3A_90 = arith.cmpi eq, %add3A_31, %broadcast_in_dim3A_85 : vector<16xi32>
    %select_n3A_91 = arith.select %eq3A_90, %broadcast_in_dim3A_5, %get3A_18 : vector<16xi1>, vector<16xf32>
    %eq3A_92 = arith.cmpi eq, %add3A_34, %broadcast_in_dim3A_85 : vector<16xi32>
    %select_n3A_93 = arith.select %eq3A_92, %broadcast_in_dim3A_5, %get3A_22 : vector<16xi1>, vector<16xf32>
    %max3A_94 = arith.maximumf %select_n3A_87, %select_n3A_89 : vector<16xf32>
    %max3A_95 = arith.maximumf %max3A_94, %select_n3A_91 : vector<16xf32>
    %max3A_96 = arith.maximumf %max3A_95, %select_n3A_93 : vector<16xf32>
    %reduce_max3A_97 = arith.constant true
    %reduce_max3A_98 = vector.broadcast %reduce_max3A_97 : i1 to vector<16xi1>
    %reduce_max3A_99 = tpu.scan <max>, %max3A_96 masked %reduce_max3A_98 : vector<16xf32>, vector<16xi1> -> vector<16xf32>
    %reduce_max3A_100 = vector.extract %reduce_max3A_99[15] : f32 from vector<16xf32>
    %broadcast_in_dim3A_101 = vector.broadcast %reduce_max3A_100 : f32 to vector<16xf32>
    %eq3A_102 = arith.cmpf oeq, %select_n3A_87, %broadcast_in_dim3A_101 : vector<16xf32>
    %select_n3A_103 = arith.select %eq3A_102, %add3A_25, %broadcast_in_dim3A_3 : vector<16xi1>, vector<16xi32>
    %reduce_min3A_104 = arith.constant true
    %reduce_min3A_105 = vector.broadcast %reduce_min3A_104 : i1 to vector<16xi1>
    %reduce_min3A_106 = arith.constant -2147483648 : i32
    %reduce_min3A_107 = vector.broadcast %reduce_min3A_106 : i32 to vector<16xi32>
    %reduce_min3A_108 = arith.xori %select_n3A_103, %reduce_min3A_107 : vector<16xi32>
    %reduce_min3A_109 = tpu.scan <min>, %reduce_min3A_108 masked %reduce_min3A_105 : vector<16xi32>, vector<16xi1> -> vector<16xi32>
    %reduce_min3A_110 = arith.xori %reduce_min3A_109, %reduce_min3A_107 : vector<16xi32>
    %reduce_min3A_111 = vector.extract %reduce_min3A_110[15] : i32 from vector<16xi32>
    %min3A_112 = arith.constant 128 : i32
    %min3A_113 = arith.minsi %min3A_112, %reduce_min3A_111 : i32
    %broadcast_in_dim3A_114 = vector.broadcast %reduce_max3A_100 : f32 to vector<16xf32>
    %eq3A_115 = arith.cmpf oeq, %select_n3A_89, %broadcast_in_dim3A_114 : vector<16xf32>
    %select_n3A_116 = arith.select %eq3A_115, %add3A_28, %broadcast_in_dim3A_3 : vector<16xi1>, vector<16xi32>
    %reduce_min3A_117 = arith.constant true
    %reduce_min3A_118 = vector.broadcast %reduce_min3A_117 : i1 to vector<16xi1>
    %reduce_min3A_119 = arith.constant -2147483648 : i32
    %reduce_min3A_120 = vector.broadcast %reduce_min3A_119 : i32 to vector<16xi32>
    %reduce_min3A_121 = arith.xori %select_n3A_116, %reduce_min3A_120 : vector<16xi32>
    %reduce_min3A_122 = tpu.scan <min>, %reduce_min3A_121 masked %reduce_min3A_118 : vector<16xi32>, vector<16xi1> -> vector<16xi32>
    %reduce_min3A_123 = arith.xori %reduce_min3A_122, %reduce_min3A_120 : vector<16xi32>
    %reduce_min3A_124 = vector.extract %reduce_min3A_123[15] : i32 from vector<16xi32>
    %min3A_125 = arith.minsi %min3A_113, %reduce_min3A_124 : i32
    %broadcast_in_dim3A_126 = vector.broadcast %reduce_max3A_100 : f32 to vector<16xf32>
    %eq3A_127 = arith.cmpf oeq, %select_n3A_91, %broadcast_in_dim3A_126 : vector<16xf32>
    %select_n3A_128 = arith.select %eq3A_127, %add3A_31, %broadcast_in_dim3A_3 : vector<16xi1>, vector<16xi32>
    %reduce_min3A_129 = arith.constant true
    %reduce_min3A_130 = vector.broadcast %reduce_min3A_129 : i1 to vector<16xi1>
    %reduce_min3A_131 = arith.constant -2147483648 : i32
    %reduce_min3A_132 = vector.broadcast %reduce_min3A_131 : i32 to vector<16xi32>
    %reduce_min3A_133 = arith.xori %select_n3A_128, %reduce_min3A_132 : vector<16xi32>
    %reduce_min3A_134 = tpu.scan <min>, %reduce_min3A_133 masked %reduce_min3A_130 : vector<16xi32>, vector<16xi1> -> vector<16xi32>
    %reduce_min3A_135 = arith.xori %reduce_min3A_134, %reduce_min3A_132 : vector<16xi32>
    %reduce_min3A_136 = vector.extract %reduce_min3A_135[15] : i32 from vector<16xi32>
    %min3A_137 = arith.minsi %min3A_125, %reduce_min3A_136 : i32
    %broadcast_in_dim3A_138 = vector.broadcast %reduce_max3A_100 : f32 to vector<16xf32>
    %eq3A_139 = arith.cmpf oeq, %select_n3A_93, %broadcast_in_dim3A_138 : vector<16xf32>
    %select_n3A_140 = arith.select %eq3A_139, %add3A_34, %broadcast_in_dim3A_3 : vector<16xi1>, vector<16xi32>
    %reduce_min3A_141 = arith.constant true
    %reduce_min3A_142 = vector.broadcast %reduce_min3A_141 : i1 to vector<16xi1>
    %reduce_min3A_143 = arith.constant -2147483648 : i32
    %reduce_min3A_144 = vector.broadcast %reduce_min3A_143 : i32 to vector<16xi32>
    %reduce_min3A_145 = arith.xori %select_n3A_140, %reduce_min3A_144 : vector<16xi32>
    %reduce_min3A_146 = tpu.scan <min>, %reduce_min3A_145 masked %reduce_min3A_142 : vector<16xi32>, vector<16xi1> -> vector<16xi32>
    %reduce_min3A_147 = arith.xori %reduce_min3A_146, %reduce_min3A_144 : vector<16xi32>
    %reduce_min3A_148 = vector.extract %reduce_min3A_147[15] : i32 from vector<16xi32>
    %min3A_149 = arith.minsi %min3A_137, %reduce_min3A_148 : i32
    %broadcast_in_dim3A_150 = vector.broadcast %min3A_149 : i32 to vector<16xi32>
    %sub3A = arith.subf %reduce_max3A_100, %reduce_max3A_39 : f32
    %broadcast_in_dim3A_151 = vector.broadcast %sub3A : f32 to vector<16xf32>
    %exp3A = math.exp %broadcast_in_dim3A_151 : vector<16xf32>
    %add3A_152 = arith.constant 1.000000e+00 : f32
    %add3A_153 = vector.broadcast %add3A_152 : f32 to vector<16xf32>
    %add3A_154 = arith.addf %add3A_153, %exp3A : vector<16xf32>
    %div3A = arith.constant 1.000000e+00 : f32
    %div3A_155 = vector.broadcast %div3A : f32 to vector<16xf32>
    %div3A_156 = arith.divf %div3A_155, %add3A_154 : vector<16xf32>
    %sub3A_157 = arith.constant 1.000000e+00 : f32
    %sub3A_158 = vector.broadcast %sub3A_157 : f32 to vector<16xf32>
    %sub3A_159 = arith.subf %sub3A_158, %div3A_156 : vector<16xf32>
    %eq3A_160 = arith.cmpi eq, %add3A_25, %broadcast_in_dim3A_85 : vector<16xi32>
    %select_n3A_161 = arith.select %eq3A_160, %div3A_156, %broadcast_in_dim3A_7 : vector<16xi1>, vector<16xf32>
    %eq3A_162 = arith.cmpi eq, %add3A_25, %broadcast_in_dim3A_150 : vector<16xi32>
    %select_n3A_163 = arith.select %eq3A_162, %sub3A_159, %select_n3A_161 : vector<16xi1>, vector<16xf32>
    %swap3A = arith.constant 0 : i32
    %swap3A_164 = arith.index_cast %swap3A : i32 to index
    %swap3A_165 = arith.constant 0 : index
    %swap3A_166 = tpu.vector_load %arg5[%swap3A_164, %swap3A_165] {strides = array<i32>} : memref<4x64xf32, #tpu.memory_space<vmem>>, vector<16xf32>,
    tpu.vector_store %arg5[%swap3A_164, %swap3A_165], %select_n3A_163 {strides = array<i32>} : memref<4x64xf32, #tpu.memory_space<vmem>>, vector<16xf32>,
    %eq3A_167 = arith.cmpi eq, %add3A_28, %broadcast_in_dim3A_85 : vector<16xi32>
    %select_n3A_168 = arith.select %eq3A_167, %div3A_156, %broadcast_in_dim3A_7 : vector<16xi1>, vector<16xf32>
    %eq3A_169 = arith.cmpi eq, %add3A_28, %broadcast_in_dim3A_150 : vector<16xi32>
    %select_n3A_170 = arith.select %eq3A_169, %sub3A_159, %select_n3A_168 : vector<16xi1>, vector<16xf32>
    %swap3A_171 = arith.constant 0 : i32
    %swap3A_172 = arith.index_cast %swap3A_171 : i32 to index
    %swap3A_173 = arith.constant 16 : index
    %swap3A_174 = tpu.vector_load %arg5[%swap3A_172, %swap3A_173] {strides = array<i32>} : memref<4x64xf32, #tpu.memory_space<vmem>>, vector<16xf32>,
    tpu.vector_store %arg5[%swap3A_172, %swap3A_173], %select_n3A_170 {strides = array<i32>} : memref<4x64xf32, #tpu.memory_space<vmem>>, vector<16xf32>,
    %eq3A_175 = arith.cmpi eq, %add3A_31, %broadcast_in_dim3A_85 : vector<16xi32>
    %select_n3A_176 = arith.select %eq3A_175, %div3A_156, %broadcast_in_dim3A_7 : vector<16xi1>, vector<16xf32>
    %eq3A_177 = arith.cmpi eq, %add3A_31, %broadcast_in_dim3A_150 : vector<16xi32>
    %select_n3A_178 = arith.select %eq3A_177, %sub3A_159, %select_n3A_176 : vector<16xi1>, vector<16xf32>
    %swap3A_179 = arith.constant 0 : i32
    %swap3A_180 = arith.index_cast %swap3A_179 : i32 to index
    %swap3A_181 = arith.constant 32 : index
    %swap3A_182 = tpu.vector_load %arg5[%swap3A_180, %swap3A_181] {strides = array<i32>} : memref<4x64xf32, #tpu.memory_space<vmem>>, vector<16xf32>,
    tpu.vector_store %arg5[%swap3A_180, %swap3A_181], %select_n3A_178 {strides = array<i32>} : memref<4x64xf32, #tpu.memory_space<vmem>>, vector<16xf32>,
    %eq3A_183 = arith.cmpi eq, %add3A_34, %broadcast_in_dim3A_85 : vector<16xi32>
    %select_n3A_184 = arith.select %eq3A_183, %div3A_156, %broadcast_in_dim3A_7 : vector<16xi1>, vector<16xf32>
    %eq3A_185 = arith.cmpi eq, %add3A_34, %broadcast_in_dim3A_150 : vector<16xi32>
    %select_n3A_186 = arith.select %eq3A_185, %sub3A_159, %select_n3A_184 : vector<16xi1>, vector<16xf32>
    %swap3A_187 = arith.constant 0 : i32
    %swap3A_188 = arith.index_cast %swap3A_187 : i32 to index
    %swap3A_189 = arith.constant 48 : index
    %swap3A_190 = tpu.vector_load %arg5[%swap3A_188, %swap3A_189] {strides = array<i32>} : memref<4x64xf32, #tpu.memory_space<vmem>>, vector<16xf32>,
    tpu.vector_store %arg5[%swap3A_188, %swap3A_189], %select_n3A_186 {strides = array<i32>} : memref<4x64xf32, #tpu.memory_space<vmem>>, vector<16xf32>,
    %get3A_191 = arith.constant 1 : i32
    %get3A_192 = arith.index_cast %get3A_191 : i32 to index
    %get3A_193 = arith.constant 0 : index
    %get3A_194 = tpu.vector_load %arg4[%get3A_192, %get3A_193] {strides = array<i32>} : memref<4x64xf32, #tpu.memory_space<vmem>>, vector<16xf32>,
    %get3A_195 = arith.constant 1 : i32
    %get3A_196 = arith.index_cast %get3A_195 : i32 to index
    %get3A_197 = arith.constant 16 : index
    %get3A_198 = tpu.vector_load %arg4[%get3A_196, %get3A_197] {strides = array<i32>} : memref<4x64xf32, #tpu.memory_space<vmem>>, vector<16xf32>,
    %get3A_199 = arith.constant 1 : i32
    %get3A_200 = arith.index_cast %get3A_199 : i32 to index
    %get3A_201 = arith.constant 32 : index
    %get3A_202 = tpu.vector_load %arg4[%get3A_200, %get3A_201] {strides = array<i32>} : memref<4x64xf32, #tpu.memory_space<vmem>>, vector<16xf32>,
    %get3A_203 = arith.constant 1 : i32
    %get3A_204 = arith.index_cast %get3A_203 : i32 to index
    %get3A_205 = arith.constant 48 : index
    %get3A_206 = tpu.vector_load %arg4[%get3A_204, %get3A_205] {strides = array<i32>} : memref<4x64xf32, #tpu.memory_space<vmem>>, vector<16xf32>,
    %add3A_207 = arith.constant 0 : i32
    %add3A_208 = vector.broadcast %add3A_207 : i32 to vector<16xi32>
    %add3A_209 = arith.addi %iota3A, %add3A_208 : vector<16xi32>
    %add3A_210 = arith.constant 16 : i32
    %add3A_211 = vector.broadcast %add3A_210 : i32 to vector<16xi32>
    %add3A_212 = arith.addi %iota3A, %add3A_211 : vector<16xi32>
    %add3A_213 = arith.constant 32 : i32
    %add3A_214 = vector.broadcast %add3A_213 : i32 to vector<16xi32>
    %add3A_215 = arith.addi %iota3A, %add3A_214 : vector<16xi32>
    %add3A_216 = arith.constant 48 : i32
    %add3A_217 = vector.broadcast %add3A_216 : i32 to vector<16xi32>
    %add3A_218 = arith.addi %iota3A, %add3A_217 : vector<16xi32>
    %max3A_219 = arith.maximumf %get3A_194, %get3A_198 : vector<16xf32>
    %max3A_220 = arith.maximumf %max3A_219, %get3A_202 : vector<16xf32>
    %max3A_221 = arith.maximumf %max3A_220, %get3A_206 : vector<16xf32>
    %reduce_max3A_222 = arith.constant true
    %reduce_max3A_223 = vector.broadcast %reduce_max3A_222 : i1 to vector<16xi1>
    %reduce_max3A_224 = tpu.scan <max>, %max3A_221 masked %reduce_max3A_223 : vector<16xf32>, vector<16xi1> -> vector<16xf32>
    %reduce_max3A_225 = vector.extract %reduce_max3A_224[15] : f32 from vector<16xf32>
    %broadcast_in_dim3A_226 = vector.broadcast %reduce_max3A_225 : f32 to vector<16xf32>
    %eq3A_227 = arith.cmpf oeq, %get3A_194, %broadcast_in_dim3A_226 : vector<16xf32>
    %select_n3A_228 = arith.select %eq3A_227, %add3A_209, %broadcast_in_dim3A_3 : vector<16xi1>, vector<16xi32>
    %reduce_min3A_229 = arith.constant true
    %reduce_min3A_230 = vector.broadcast %reduce_min3A_229 : i1 to vector<16xi1>
    %reduce_min3A_231 = arith.constant -2147483648 : i32
    %reduce_min3A_232 = vector.broadcast %reduce_min3A_231 : i32 to vector<16xi32>
    %reduce_min3A_233 = arith.xori %select_n3A_228, %reduce_min3A_232 : vector<16xi32>
    %reduce_min3A_234 = tpu.scan <min>, %reduce_min3A_233 masked %reduce_min3A_230 : vector<16xi32>, vector<16xi1> -> vector<16xi32>
    %reduce_min3A_235 = arith.xori %reduce_min3A_234, %reduce_min3A_232 : vector<16xi32>
    %reduce_min3A_236 = vector.extract %reduce_min3A_235[15] : i32 from vector<16xi32>
    %min3A_237 = arith.constant 128 : i32
    %min3A_238 = arith.minsi %min3A_237, %reduce_min3A_236 : i32
    %broadcast_in_dim3A_239 = vector.broadcast %reduce_max3A_225 : f32 to vector<16xf32>
    %eq3A_240 = arith.cmpf oeq, %get3A_198, %broadcast_in_dim3A_239 : vector<16xf32>
    %select_n3A_241 = arith.select %eq3A_240, %add3A_212, %broadcast_in_dim3A_3 : vector<16xi1>, vector<16xi32>
    %reduce_min3A_242 = arith.constant true
    %reduce_min3A_243 = vector.broadcast %reduce_min3A_242 : i1 to vector<16xi1>
    %reduce_min3A_244 = arith.constant -2147483648 : i32
    %reduce_min3A_245 = vector.broadcast %reduce_min3A_244 : i32 to vector<16xi32>
    %reduce_min3A_246 = arith.xori %select_n3A_241, %reduce_min3A_245 : vector<16xi32>
    %reduce_min3A_247 = tpu.scan <min>, %reduce_min3A_246 masked %reduce_min3A_243 : vector<16xi32>, vector<16xi1> -> vector<16xi32>
    %reduce_min3A_248 = arith.xori %reduce_min3A_247, %reduce_min3A_245 : vector<16xi32>
    %reduce_min3A_249 = vector.extract %reduce_min3A_248[15] : i32 from vector<16xi32>
    %min3A_250 = arith.minsi %min3A_238, %reduce_min3A_249 : i32
    %broadcast_in_dim3A_251 = vector.broadcast %reduce_max3A_225 : f32 to vector<16xf32>
    %eq3A_252 = arith.cmpf oeq, %get3A_202, %broadcast_in_dim3A_251 : vector<16xf32>
    %select_n3A_253 = arith.select %eq3A_252, %add3A_215, %broadcast_in_dim3A_3 : vector<16xi1>, vector<16xi32>
    %reduce_min3A_254 = arith.constant true
    %reduce_min3A_255 = vector.broadcast %reduce_min3A_254 : i1 to vector<16xi1>
    %reduce_min3A_256 = arith.constant -2147483648 : i32
    %reduce_min3A_257 = vector.broadcast %reduce_min3A_256 : i32 to vector<16xi32>
    %reduce_min3A_258 = arith.xori %select_n3A_253, %reduce_min3A_257 : vector<16xi32>
    %reduce_min3A_259 = tpu.scan <min>, %reduce_min3A_258 masked %reduce_min3A_255 : vector<16xi32>, vector<16xi1> -> vector<16xi32>
    %reduce_min3A_260 = arith.xori %reduce_min3A_259, %reduce_min3A_257 : vector<16xi32>
    %reduce_min3A_261 = vector.extract %reduce_min3A_260[15] : i32 from vector<16xi32>
    %min3A_262 = arith.minsi %min3A_250, %reduce_min3A_261 : i32
    %broadcast_in_dim3A_263 = vector.broadcast %reduce_max3A_225 : f32 to vector<16xf32>
    %eq3A_264 = arith.cmpf oeq, %get3A_206, %broadcast_in_dim3A_263 : vector<16xf32>
    %select_n3A_265 = arith.select %eq3A_264, %add3A_218, %broadcast_in_dim3A_3 : vector<16xi1>, vector<16xi32>
    %reduce_min3A_266 = arith.constant true
    %reduce_min3A_267 = vector.broadcast %reduce_min3A_266 : i1 to vector<16xi1>
    %reduce_min3A_268 = arith.constant -2147483648 : i32
    %reduce_min3A_269 = vector.broadcast %reduce_min3A_268 : i32 to vector<16xi32>
    %reduce_min3A_270 = arith.xori %select_n3A_265, %reduce_min3A_269 : vector<16xi32>
    %reduce_min3A_271 = tpu.scan <min>, %reduce_min3A_270 masked %reduce_min3A_267 : vector<16xi32>, vector<16xi1> -> vector<16xi32>
    %reduce_min3A_272 = arith.xori %reduce_min3A_271, %reduce_min3A_269 : vector<16xi32>
    %reduce_min3A_273 = vector.extract %reduce_min3A_272[15] : i32 from vector<16xi32>
    %min3A_274 = arith.minsi %min3A_262, %reduce_min3A_273 : i32
    %broadcast_in_dim3A_275 = vector.broadcast %min3A_274 : i32 to vector<16xi32>
    %eq3A_276 = arith.cmpi eq, %add3A_209, %broadcast_in_dim3A_275 : vector<16xi32>
    %select_n3A_277 = arith.select %eq3A_276, %broadcast_in_dim3A_5, %get3A_194 : vector<16xi1>, vector<16xf32>
    %eq3A_278 = arith.cmpi eq, %add3A_212, %broadcast_in_dim3A_275 : vector<16xi32>
    %select_n3A_279 = arith.select %eq3A_278, %broadcast_in_dim3A_5, %get3A_198 : vector<16xi1>, vector<16xf32>
    %eq3A_280 = arith.cmpi eq, %add3A_215, %broadcast_in_dim3A_275 : vector<16xi32>
    %select_n3A_281 = arith.select %eq3A_280, %broadcast_in_dim3A_5, %get3A_202 : vector<16xi1>, vector<16xf32>
    %eq3A_282 = arith.cmpi eq, %add3A_218, %broadcast_in_dim3A_275 : vector<16xi32>
    %select_n3A_283 = arith.select %eq3A_282, %broadcast_in_dim3A_5, %get3A_206 : vector<16xi1>, vector<16xf32>
    %max3A_284 = arith.maximumf %select_n3A_277, %select_n3A_279 : vector<16xf32>
    %max3A_285 = arith.maximumf %max3A_284, %select_n3A_281 : vector<16xf32>
    %max3A_286 = arith.maximumf %max3A_285, %select_n3A_283 : vector<16xf32>
    %reduce_max3A_287 = arith.constant true
    %reduce_max3A_288 = vector.broadcast %reduce_max3A_287 : i1 to vector<16xi1>
    %reduce_max3A_289 = tpu.scan <max>, %max3A_286 masked %reduce_max3A_288 : vector<16xf32>, vector<16xi1> -> vector<16xf32>
    %reduce_max3A_290 = vector.extract %reduce_max3A_289[15] : f32 from vector<16xf32>
    %broadcast_in_dim3A_291 = vector.broadcast %reduce_max3A_290 : f32 to vector<16xf32>
    %eq3A_292 = arith.cmpf oeq, %select_n3A_277, %broadcast_in_dim3A_291 : vector<16xf32>
    %select_n3A_293 = arith.select %eq3A_292, %add3A_209, %broadcast_in_dim3A_3 : vector<16xi1>, vector<16xi32>
    %reduce_min3A_294 = arith.constant true
    %reduce_min3A_295 = vector.broadcast %reduce_min3A_294 : i1 to vector<16xi1>
    %reduce_min3A_296 = arith.constant -2147483648 : i32
    %reduce_min3A_297 = vector.broadcast %reduce_min3A_296 : i32 to vector<16xi32>
    %reduce_min3A_298 = arith.xori %select_n3A_293, %reduce_min3A_297 : vector<16xi32>
    %reduce_min3A_299 = tpu.scan <min>, %reduce_min3A_298 masked %reduce_min3A_295 : vector<16xi32>, vector<16xi1> -> vector<16xi32>
    %reduce_min3A_300 = arith.xori %reduce_min3A_299, %reduce_min3A_297 : vector<16xi32>
    %reduce_min3A_301 = vector.extract %reduce_min3A_300[15] : i32 from vector<16xi32>
    %min3A_302 = arith.constant 128 : i32
    %min3A_303 = arith.minsi %min3A_302, %reduce_min3A_301 : i32
    %broadcast_in_dim3A_304 = vector.broadcast %reduce_max3A_290 : f32 to vector<16xf32>
    %eq3A_305 = arith.cmpf oeq, %select_n3A_279, %broadcast_in_dim3A_304 : vector<16xf32>
    %select_n3A_306 = arith.select %eq3A_305, %add3A_212, %broadcast_in_dim3A_3 : vector<16xi1>, vector<16xi32>
    %reduce_min3A_307 = arith.constant true
    %reduce_min3A_308 = vector.broadcast %reduce_min3A_307 : i1 to vector<16xi1>
    %reduce_min3A_309 = arith.constant -2147483648 : i32
    %reduce_min3A_310 = vector.broadcast %reduce_min3A_309 : i32 to vector<16xi32>
    %reduce_min3A_311 = arith.xori %select_n3A_306, %reduce_min3A_310 : vector<16xi32>
    %reduce_min3A_312 = tpu.scan <min>, %reduce_min3A_311 masked %reduce_min3A_308 : vector<16xi32>, vector<16xi1> -> vector<16xi32>
    %reduce_min3A_313 = arith.xori %reduce_min3A_312, %reduce_min3A_310 : vector<16xi32>
    %reduce_min3A_314 = vector.extract %reduce_min3A_313[15] : i32 from vector<16xi32>
    %min3A_315 = arith.minsi %min3A_303, %reduce_min3A_314 : i32
    %broadcast_in_dim3A_316 = vector.broadcast %reduce_max3A_290 : f32 to vector<16xf32>
    %eq3A_317 = arith.cmpf oeq, %select_n3A_281, %broadcast_in_dim3A_316 : vector<16xf32>
    %select_n3A_318 = arith.select %eq3A_317, %add3A_215, %broadcast_in_dim3A_3 : vector<16xi1>, vector<16xi32>
    %reduce_min3A_319 = arith.constant true
    %reduce_min3A_320 = vector.broadcast %reduce_min3A_319 : i1 to vector<16xi1>
    %reduce_min3A_321 = arith.constant -2147483648 : i32
    %reduce_min3A_322 = vector.broadcast %reduce_min3A_321 : i32 to vector<16xi32>
    %reduce_min3A_323 = arith.xori %select_n3A_318, %reduce_min3A_322 : vector<16xi32>
    %reduce_min3A_324 = tpu.scan <min>, %reduce_min3A_323 masked %reduce_min3A_320 : vector<16xi32>, vector<16xi1> -> vector<16xi32>
    %reduce_min3A_325 = arith.xori %reduce_min3A_324, %reduce_min3A_322 : vector<16xi32>
    %reduce_min3A_326 = vector.extract %reduce_min3A_325[15] : i32 from vector<16xi32>
    %min3A_327 = arith.minsi %min3A_315, %reduce_min3A_326 : i32
    %broadcast_in_dim3A_328 = vector.broadcast %reduce_max3A_290 : f32 to vector<16xf32>
    %eq3A_329 = arith.cmpf oeq, %select_n3A_283, %broadcast_in_dim3A_328 : vector<16xf32>
    %select_n3A_330 = arith.select %eq3A_329, %add3A_218, %broadcast_in_dim3A_3 : vector<16xi1>, vector<16xi32>
    %reduce_min3A_331 = arith.constant true
    %reduce_min3A_332 = vector.broadcast %reduce_min3A_331 : i1 to vector<16xi1>
    %reduce_min3A_333 = arith.constant -2147483648 : i32
    %reduce_min3A_334 = vector.broadcast %reduce_min3A_333 : i32 to vector<16xi32>
    %reduce_min3A_335 = arith.xori %select_n3A_330, %reduce_min3A_334 : vector<16xi32>
    %reduce_min3A_336 = tpu.scan <min>, %reduce_min3A_335 masked %reduce_min3A_332 : vector<16xi32>, vector<16xi1> -> vector<16xi32>
    %reduce_min3A_337 = arith.xori %reduce_min3A_336, %reduce_min3A_334 : vector<16xi32>
    %reduce_min3A_338 = vector.extract %reduce_min3A_337[15] : i32 from vector<16xi32>
    %min3A_339 = arith.minsi %min3A_327, %reduce_min3A_338 : i32
    %broadcast_in_dim3A_340 = vector.broadcast %min3A_339 : i32 to vector<16xi32>
    %sub3A_341 = arith.subf %reduce_max3A_290, %reduce_max3A_225 : f32
    %broadcast_in_dim3A_342 = vector.broadcast %sub3A_341 : f32 to vector<16xf32>
    %exp3A_343 = math.exp %broadcast_in_dim3A_342 : vector<16xf32>
    %add3A_344 = arith.constant 1.000000e+00 : f32
    %add3A_345 = vector.broadcast %add3A_344 : f32 to vector<16xf32>
    %add3A_346 = arith.addf %add3A_345, %exp3A_343 : vector<16xf32>
    %div3A_347 = arith.constant 1.000000e+00 : f32
    %div3A_348 = vector.broadcast %div3A_347 : f32 to vector<16xf32>
    %div3A_349 = arith.divf %div3A_348, %add3A_346 : vector<16xf32>
    %sub3A_350 = arith.constant 1.000000e+00 : f32
    %sub3A_351 = vector.broadcast %sub3A_350 : f32 to vector<16xf32>
    %sub3A_352 = arith.subf %sub3A_351, %div3A_349 : vector<16xf32>
    %eq3A_353 = arith.cmpi eq, %add3A_209, %broadcast_in_dim3A_275 : vector<16xi32>
    %select_n3A_354 = arith.select %eq3A_353, %div3A_349, %broadcast_in_dim3A_7 : vector<16xi1>, vector<16xf32>
    %eq3A_355 = arith.cmpi eq, %add3A_209, %broadcast_in_dim3A_340 : vector<16xi32>
    %select_n3A_356 = arith.select %eq3A_355, %sub3A_352, %select_n3A_354 : vector<16xi1>, vector<16xf32>
    %swap3A_357 = arith.constant 1 : i32
    %swap3A_358 = arith.index_cast %swap3A_357 : i32 to index
    %swap3A_359 = arith.constant 0 : index
    %swap3A_360 = tpu.vector_load %arg5[%swap3A_358, %swap3A_359] {strides = array<i32>} : memref<4x64xf32, #tpu.memory_space<vmem>>, vector<16xf32>,
    tpu.vector_store %arg5[%swap3A_358, %swap3A_359], %select_n3A_356 {strides = array<i32>} : memref<4x64xf32, #tpu.memory_space<vmem>>, vector<16xf32>,
    %eq3A_361 = arith.cmpi eq, %add3A_212, %broadcast_in_dim3A_275 : vector<16xi32>
    %select_n3A_362 = arith.select %eq3A_361, %div3A_349, %broadcast_in_dim3A_7 : vector<16xi1>, vector<16xf32>
    %eq3A_363 = arith.cmpi eq, %add3A_212, %broadcast_in_dim3A_340 : vector<16xi32>
    %select_n3A_364 = arith.select %eq3A_363, %sub3A_352, %select_n3A_362 : vector<16xi1>, vector<16xf32>
    %swap3A_365 = arith.constant 1 : i32
    %swap3A_366 = arith.index_cast %swap3A_365 : i32 to index
    %swap3A_367 = arith.constant 16 : index
    %swap3A_368 = tpu.vector_load %arg5[%swap3A_366, %swap3A_367] {strides = array<i32>} : memref<4x64xf32, #tpu.memory_space<vmem>>, vector<16xf32>,
    tpu.vector_store %arg5[%swap3A_366, %swap3A_367], %select_n3A_364 {strides = array<i32>} : memref<4x64xf32, #tpu.memory_space<vmem>>, vector<16xf32>,
    %eq3A_369 = arith.cmpi eq, %add3A_215, %broadcast_in_dim3A_275 : vector<16xi32>
    %select_n3A_370 = arith.select %eq3A_369, %div3A_349, %broadcast_in_dim3A_7 : vector<16xi1>, vector<16xf32>
    %eq3A_371 = arith.cmpi eq, %add3A_215, %broadcast_in_dim3A_340 : vector<16xi32>
    %select_n3A_372 = arith.select %eq3A_371, %sub3A_352, %select_n3A_370 : vector<16xi1>, vector<16xf32>
    %swap3A_373 = arith.constant 1 : i32
    %swap3A_374 = arith.index_cast %swap3A_373 : i32 to index
    %swap3A_375 = arith.constant 32 : index
    %swap3A_376 = tpu.vector_load %arg5[%swap3A_374, %swap3A_375] {strides = array<i32>} : memref<4x64xf32, #tpu.memory_space<vmem>>, vector<16xf32>,
    tpu.vector_store %arg5[%swap3A_374, %swap3A_375], %select_n3A_372 {strides = array<i32>} : memref<4x64xf32, #tpu.memory_space<vmem>>, vector<16xf32>,
    %eq3A_377 = arith.cmpi eq, %add3A_218, %broadcast_in_dim3A_275 : vector<16xi32>
    %select_n3A_378 = arith.select %eq3A_377, %div3A_349, %broadcast_in_dim3A_7 : vector<16xi1>, vector<16xf32>
    %eq3A_379 = arith.cmpi eq, %add3A_218, %broadcast_in_dim3A_340 : vector<16xi32>
    %select_n3A_380 = arith.select %eq3A_379, %sub3A_352, %select_n3A_378 : vector<16xi1>, vector<16xf32>
    %swap3A_381 = arith.constant 1 : i32
    %swap3A_382 = arith.index_cast %swap3A_381 : i32 to index
    %swap3A_383 = arith.constant 48 : index
    %swap3A_384 = tpu.vector_load %arg5[%swap3A_382, %swap3A_383] {strides = array<i32>} : memref<4x64xf32, #tpu.memory_space<vmem>>, vector<16xf32>,
    tpu.vector_store %arg5[%swap3A_382, %swap3A_383], %select_n3A_380 {strides = array<i32>} : memref<4x64xf32, #tpu.memory_space<vmem>>, vector<16xf32>,
    %get3A_385 = arith.constant 2 : i32
    %get3A_386 = arith.index_cast %get3A_385 : i32 to index
    %get3A_387 = arith.constant 0 : index
    %get3A_388 = tpu.vector_load %arg4[%get3A_386, %get3A_387] {strides = array<i32>} : memref<4x64xf32, #tpu.memory_space<vmem>>, vector<16xf32>,
    %get3A_389 = arith.constant 2 : i32
    %get3A_390 = arith.index_cast %get3A_389 : i32 to index
    %get3A_391 = arith.constant 16 : index
    %get3A_392 = tpu.vector_load %arg4[%get3A_390, %get3A_391] {strides = array<i32>} : memref<4x64xf32, #tpu.memory_space<vmem>>, vector<16xf32>,
    %get3A_393 = arith.constant 2 : i32
    %get3A_394 = arith.index_cast %get3A_393 : i32 to index
    %get3A_395 = arith.constant 32 : index
    %get3A_396 = tpu.vector_load %arg4[%get3A_394, %get3A_395] {strides = array<i32>} : memref<4x64xf32, #tpu.memory_space<vmem>>, vector<16xf32>,
    %get3A_397 = arith.constant 2 : i32
    %get3A_398 = arith.index_cast %get3A_397 : i32 to index
    %get3A_399 = arith.constant 48 : index
    %get3A_400 = tpu.vector_load %arg4[%get3A_398, %get3A_399] {strides = array<i32>} : memref<4x64xf32, #tpu.memory_space<vmem>>, vector<16xf32>,
    %add3A_401 = arith.constant 0 : i32
    %add3A_402 = vector.broadcast %add3A_401 : i32 to vector<16xi32>
    %add3A_403 = arith.addi %iota3A, %add3A_402 : vector<16xi32>
    %add3A_404 = arith.constant 16 : i32
    %add3A_405 = vector.broadcast %add3A_404 : i32 to vector<16xi32>
    %add3A_406 = arith.addi %iota3A, %add3A_405 : vector<16xi32>
    %add3A_407 = arith.constant 32 : i32
    %add3A_408 = vector.broadcast %add3A_407 : i32 to vector<16xi32>
    %add3A_409 = arith.addi %iota3A, %add3A_408 : vector<16xi32>
    %add3A_410 = arith.constant 48 : i32
    %add3A_411 = vector.broadcast %add3A_410 : i32 to vector<16xi32>
    %add3A_412 = arith.addi %iota3A, %add3A_411 : vector<16xi32>
    %max3A_413 = arith.maximumf %get3A_388, %get3A_392 : vector<16xf32>
    %max3A_414 = arith.maximumf %max3A_413, %get3A_396 : vector<16xf32>
    %max3A_415 = arith.maximumf %max3A_414, %get3A_400 : vector<16xf32>
    %reduce_max3A_416 = arith.constant true
    %reduce_max3A_417 = vector.broadcast %reduce_max3A_416 : i1 to vector<16xi1>
    %reduce_max3A_418 = tpu.scan <max>, %max3A_415 masked %reduce_max3A_417 : vector<16xf32>, vector<16xi1> -> vector<16xf32>
    %reduce_max3A_419 = vector.extract %reduce_max3A_418[15] : f32 from vector<16xf32>
    %broadcast_in_dim3A_420 = vector.broadcast %reduce_max3A_419 : f32 to vector<16xf32>
    %eq3A_421 = arith.cmpf oeq, %get3A_388, %broadcast_in_dim3A_420 : vector<16xf32>
    %select_n3A_422 = arith.select %eq3A_421, %add3A_403, %broadcast_in_dim3A_3 : vector<16xi1>, vector<16xi32>
    %reduce_min3A_423 = arith.constant true
    %reduce_min3A_424 = vector.broadcast %reduce_min3A_423 : i1 to vector<16xi1>
    %reduce_min3A_425 = arith.constant -2147483648 : i32
    %reduce_min3A_426 = vector.broadcast %reduce_min3A_425 : i32 to vector<16xi32>
    %reduce_min3A_427 = arith.xori %select_n3A_422, %reduce_min3A_426 : vector<16xi32>
    %reduce_min3A_428 = tpu.scan <min>, %reduce_min3A_427 masked %reduce_min3A_424 : vector<16xi32>, vector<16xi1> -> vector<16xi32>
    %reduce_min3A_429 = arith.xori %reduce_min3A_428, %reduce_min3A_426 : vector<16xi32>
    %reduce_min3A_430 = vector.extract %reduce_min3A_429[15] : i32 from vector<16xi32>
    %min3A_431 = arith.constant 128 : i32
    %min3A_432 = arith.minsi %min3A_431, %reduce_min3A_430 : i32
    %broadcast_in_dim3A_433 = vector.broadcast %reduce_max3A_419 : f32 to vector<16xf32>
    %eq3A_434 = arith.cmpf oeq, %get3A_392, %broadcast_in_dim3A_433 : vector<16xf32>
    %select_n3A_435 = arith.select %eq3A_434, %add3A_406, %broadcast_in_dim3A_3 : vector<16xi1>, vector<16xi32>
    %reduce_min3A_436 = arith.constant true
    %reduce_min3A_437 = vector.broadcast %reduce_min3A_436 : i1 to vector<16xi1>
    %reduce_min3A_438 = arith.constant -2147483648 : i32
    %reduce_min3A_439 = vector.broadcast %reduce_min3A_438 : i32 to vector<16xi32>
    %reduce_min3A_440 = arith.xori %select_n3A_435, %reduce_min3A_439 : vector<16xi32>
    %reduce_min3A_441 = tpu.scan <min>, %reduce_min3A_440 masked %reduce_min3A_437 : vector<16xi32>, vector<16xi1> -> vector<16xi32>
    %reduce_min3A_442 = arith.xori %reduce_min3A_441, %reduce_min3A_439 : vector<16xi32>
    %reduce_min3A_443 = vector.extract %reduce_min3A_442[15] : i32 from vector<16xi32>
    %min3A_444 = arith.minsi %min3A_432, %reduce_min3A_443 : i32
    %broadcast_in_dim3A_445 = vector.broadcast %reduce_max3A_419 : f32 to vector<16xf32>
    %eq3A_446 = arith.cmpf oeq, %get3A_396, %broadcast_in_dim3A_445 : vector<16xf32>
    %select_n3A_447 = arith.select %eq3A_446, %add3A_409, %broadcast_in_dim3A_3 : vector<16xi1>, vector<16xi32>
    %reduce_min3A_448 = arith.constant true
    %reduce_min3A_449 = vector.broadcast %reduce_min3A_448 : i1 to vector<16xi1>
    %reduce_min3A_450 = arith.constant -2147483648 : i32
    %reduce_min3A_451 = vector.broadcast %reduce_min3A_450 : i32 to vector<16xi32>
    %reduce_min3A_452 = arith.xori %select_n3A_447, %reduce_min3A_451 : vector<16xi32>
    %reduce_min3A_453 = tpu.scan <min>, %reduce_min3A_452 masked %reduce_min3A_449 : vector<16xi32>, vector<16xi1> -> vector<16xi32>
    %reduce_min3A_454 = arith.xori %reduce_min3A_453, %reduce_min3A_451 : vector<16xi32>
    %reduce_min3A_455 = vector.extract %reduce_min3A_454[15] : i32 from vector<16xi32>
    %min3A_456 = arith.minsi %min3A_444, %reduce_min3A_455 : i32
    %broadcast_in_dim3A_457 = vector.broadcast %reduce_max3A_419 : f32 to vector<16xf32>
    %eq3A_458 = arith.cmpf oeq, %get3A_400, %broadcast_in_dim3A_457 : vector<16xf32>
    %select_n3A_459 = arith.select %eq3A_458, %add3A_412, %broadcast_in_dim3A_3 : vector<16xi1>, vector<16xi32>
    %reduce_min3A_460 = arith.constant true
    %reduce_min3A_461 = vector.broadcast %reduce_min3A_460 : i1 to vector<16xi1>
    %reduce_min3A_462 = arith.constant -2147483648 : i32
    %reduce_min3A_463 = vector.broadcast %reduce_min3A_462 : i32 to vector<16xi32>
    %reduce_min3A_464 = arith.xori %select_n3A_459, %reduce_min3A_463 : vector<16xi32>
    %reduce_min3A_465 = tpu.scan <min>, %reduce_min3A_464 masked %reduce_min3A_461 : vector<16xi32>, vector<16xi1> -> vector<16xi32>
    %reduce_min3A_466 = arith.xori %reduce_min3A_465, %reduce_min3A_463 : vector<16xi32>
    %reduce_min3A_467 = vector.extract %reduce_min3A_466[15] : i32 from vector<16xi32>
    %min3A_468 = arith.minsi %min3A_456, %reduce_min3A_467 : i32
    %broadcast_in_dim3A_469 = vector.broadcast %min3A_468 : i32 to vector<16xi32>
    %eq3A_470 = arith.cmpi eq, %add3A_403, %broadcast_in_dim3A_469 : vector<16xi32>
    %select_n3A_471 = arith.select %eq3A_470, %broadcast_in_dim3A_5, %get3A_388 : vector<16xi1>, vector<16xf32>
    %eq3A_472 = arith.cmpi eq, %add3A_406, %broadcast_in_dim3A_469 : vector<16xi32>
    %select_n3A_473 = arith.select %eq3A_472, %broadcast_in_dim3A_5, %get3A_392 : vector<16xi1>, vector<16xf32>
    %eq3A_474 = arith.cmpi eq, %add3A_409, %broadcast_in_dim3A_469 : vector<16xi32>
    %select_n3A_475 = arith.select %eq3A_474, %broadcast_in_dim3A_5, %get3A_396 : vector<16xi1>, vector<16xf32>
    %eq3A_476 = arith.cmpi eq, %add3A_412, %broadcast_in_dim3A_469 : vector<16xi32>
    %select_n3A_477 = arith.select %eq3A_476, %broadcast_in_dim3A_5, %get3A_400 : vector<16xi1>, vector<16xf32>
    %max3A_478 = arith.maximumf %select_n3A_471, %select_n3A_473 : vector<16xf32>
    %max3A_479 = arith.maximumf %max3A_478, %select_n3A_475 : vector<16xf32>
    %max3A_480 = arith.maximumf %max3A_479, %select_n3A_477 : vector<16xf32>
    %reduce_max3A_481 = arith.constant true
    %reduce_max3A_482 = vector.broadcast %reduce_max3A_481 : i1 to vector<16xi1>
    %reduce_max3A_483 = tpu.scan <max>, %max3A_480 masked %reduce_max3A_482 : vector<16xf32>, vector<16xi1> -> vector<16xf32>
    %reduce_max3A_484 = vector.extract %reduce_max3A_483[15] : f32 from vector<16xf32>
    %broadcast_in_dim3A_485 = vector.broadcast %reduce_max3A_484 : f32 to vector<16xf32>
    %eq3A_486 = arith.cmpf oeq, %select_n3A_471, %broadcast_in_dim3A_485 : vector<16xf32>
    %select_n3A_487 = arith.select %eq3A_486, %add3A_403, %broadcast_in_dim3A_3 : vector<16xi1>, vector<16xi32>
    %reduce_min3A_488 = arith.constant true
    %reduce_min3A_489 = vector.broadcast %reduce_min3A_488 : i1 to vector<16xi1>
    %reduce_min3A_490 = arith.constant -2147483648 : i32
    %reduce_min3A_491 = vector.broadcast %reduce_min3A_490 : i32 to vector<16xi32>
    %reduce_min3A_492 = arith.xori %select_n3A_487, %reduce_min3A_491 : vector<16xi32>
    %reduce_min3A_493 = tpu.scan <min>, %reduce_min3A_492 masked %reduce_min3A_489 : vector<16xi32>, vector<16xi1> -> vector<16xi32>
    %reduce_min3A_494 = arith.xori %reduce_min3A_493, %reduce_min3A_491 : vector<16xi32>
    %reduce_min3A_495 = vector.extract %reduce_min3A_494[15] : i32 from vector<16xi32>
    %min3A_496 = arith.constant 128 : i32
    %min3A_497 = arith.minsi %min3A_496, %reduce_min3A_495 : i32
    %broadcast_in_dim3A_498 = vector.broadcast %reduce_max3A_484 : f32 to vector<16xf32>
    %eq3A_499 = arith.cmpf oeq, %select_n3A_473, %broadcast_in_dim3A_498 : vector<16xf32>
    %select_n3A_500 = arith.select %eq3A_499, %add3A_406, %broadcast_in_dim3A_3 : vector<16xi1>, vector<16xi32>
    %reduce_min3A_501 = arith.constant true
    %reduce_min3A_502 = vector.broadcast %reduce_min3A_501 : i1 to vector<16xi1>
    %reduce_min3A_503 = arith.constant -2147483648 : i32
    %reduce_min3A_504 = vector.broadcast %reduce_min3A_503 : i32 to vector<16xi32>
    %reduce_min3A_505 = arith.xori %select_n3A_500, %reduce_min3A_504 : vector<16xi32>
    %reduce_min3A_506 = tpu.scan <min>, %reduce_min3A_505 masked %reduce_min3A_502 : vector<16xi32>, vector<16xi1> -> vector<16xi32>
    %reduce_min3A_507 = arith.xori %reduce_min3A_506, %reduce_min3A_504 : vector<16xi32>
    %reduce_min3A_508 = vector.extract %reduce_min3A_507[15] : i32 from vector<16xi32>
    %min3A_509 = arith.minsi %min3A_497, %reduce_min3A_508 : i32
    %broadcast_in_dim3A_510 = vector.broadcast %reduce_max3A_484 : f32 to vector<16xf32>
    %eq3A_511 = arith.cmpf oeq, %select_n3A_475, %broadcast_in_dim3A_510 : vector<16xf32>
    %select_n3A_512 = arith.select %eq3A_511, %add3A_409, %broadcast_in_dim3A_3 : vector<16xi1>, vector<16xi32>
    %reduce_min3A_513 = arith.constant true
    %reduce_min3A_514 = vector.broadcast %reduce_min3A_513 : i1 to vector<16xi1>
    %reduce_min3A_515 = arith.constant -2147483648 : i32
    %reduce_min3A_516 = vector.broadcast %reduce_min3A_515 : i32 to vector<16xi32>
    %reduce_min3A_517 = arith.xori %select_n3A_512, %reduce_min3A_516 : vector<16xi32>
    %reduce_min3A_518 = tpu.scan <min>, %reduce_min3A_517 masked %reduce_min3A_514 : vector<16xi32>, vector<16xi1> -> vector<16xi32>
    %reduce_min3A_519 = arith.xori %reduce_min3A_518, %reduce_min3A_516 : vector<16xi32>
    %reduce_min3A_520 = vector.extract %reduce_min3A_519[15] : i32 from vector<16xi32>
    %min3A_521 = arith.minsi %min3A_509, %reduce_min3A_520 : i32
    %broadcast_in_dim3A_522 = vector.broadcast %reduce_max3A_484 : f32 to vector<16xf32>
    %eq3A_523 = arith.cmpf oeq, %select_n3A_477, %broadcast_in_dim3A_522 : vector<16xf32>
    %select_n3A_524 = arith.select %eq3A_523, %add3A_412, %broadcast_in_dim3A_3 : vector<16xi1>, vector<16xi32>
    %reduce_min3A_525 = arith.constant true
    %reduce_min3A_526 = vector.broadcast %reduce_min3A_525 : i1 to vector<16xi1>
    %reduce_min3A_527 = arith.constant -2147483648 : i32
    %reduce_min3A_528 = vector.broadcast %reduce_min3A_527 : i32 to vector<16xi32>
    %reduce_min3A_529 = arith.xori %select_n3A_524, %reduce_min3A_528 : vector<16xi32>
    %reduce_min3A_530 = tpu.scan <min>, %reduce_min3A_529 masked %reduce_min3A_526 : vector<16xi32>, vector<16xi1> -> vector<16xi32>
    %reduce_min3A_531 = arith.xori %reduce_min3A_530, %reduce_min3A_528 : vector<16xi32>
    %reduce_min3A_532 = vector.extract %reduce_min3A_531[15] : i32 from vector<16xi32>
    %min3A_533 = arith.minsi %min3A_521, %reduce_min3A_532 : i32
    %broadcast_in_dim3A_534 = vector.broadcast %min3A_533 : i32 to vector<16xi32>
    %sub3A_535 = arith.subf %reduce_max3A_484, %reduce_max3A_419 : f32
    %broadcast_in_dim3A_536 = vector.broadcast %sub3A_535 : f32 to vector<16xf32>
    %exp3A_537 = math.exp %broadcast_in_dim3A_536 : vector<16xf32>
    %add3A_538 = arith.constant 1.000000e+00 : f32
    %add3A_539 = vector.broadcast %add3A_538 : f32 to vector<16xf32>
    %add3A_540 = arith.addf %add3A_539, %exp3A_537 : vector<16xf32>
    %div3A_541 = arith.constant 1.000000e+00 : f32
    %div3A_542 = vector.broadcast %div3A_541 : f32 to vector<16xf32>
    %div3A_543 = arith.divf %div3A_542, %add3A_540 : vector<16xf32>
    %sub3A_544 = arith.constant 1.000000e+00 : f32
    %sub3A_545 = vector.broadcast %sub3A_544 : f32 to vector<16xf32>
    %sub3A_546 = arith.subf %sub3A_545, %div3A_543 : vector<16xf32>
    %eq3A_547 = arith.cmpi eq, %add3A_403, %broadcast_in_dim3A_469 : vector<16xi32>
    %select_n3A_548 = arith.select %eq3A_547, %div3A_543, %broadcast_in_dim3A_7 : vector<16xi1>, vector<16xf32>
    %eq3A_549 = arith.cmpi eq, %add3A_403, %broadcast_in_dim3A_534 : vector<16xi32>
    %select_n3A_550 = arith.select %eq3A_549, %sub3A_546, %select_n3A_548 : vector<16xi1>, vector<16xf32>
    %swap3A_551 = arith.constant 2 : i32
    %swap3A_552 = arith.index_cast %swap3A_551 : i32 to index
    %swap3A_553 = arith.constant 0 : index
    %swap3A_554 = tpu.vector_load %arg5[%swap3A_552, %swap3A_553] {strides = array<i32>} : memref<4x64xf32, #tpu.memory_space<vmem>>, vector<16xf32>,
    tpu.vector_store %arg5[%swap3A_552, %swap3A_553], %select_n3A_550 {strides = array<i32>} : memref<4x64xf32, #tpu.memory_space<vmem>>, vector<16xf32>,
    %eq3A_555 = arith.cmpi eq, %add3A_406, %broadcast_in_dim3A_469 : vector<16xi32>
    %select_n3A_556 = arith.select %eq3A_555, %div3A_543, %broadcast_in_dim3A_7 : vector<16xi1>, vector<16xf32>
    %eq3A_557 = arith.cmpi eq, %add3A_406, %broadcast_in_dim3A_534 : vector<16xi32>
    %select_n3A_558 = arith.select %eq3A_557, %sub3A_546, %select_n3A_556 : vector<16xi1>, vector<16xf32>
    %swap3A_559 = arith.constant 2 : i32
    %swap3A_560 = arith.index_cast %swap3A_559 : i32 to index
    %swap3A_561 = arith.constant 16 : index
    %swap3A_562 = tpu.vector_load %arg5[%swap3A_560, %swap3A_561] {strides = array<i32>} : memref<4x64xf32, #tpu.memory_space<vmem>>, vector<16xf32>,
    tpu.vector_store %arg5[%swap3A_560, %swap3A_561], %select_n3A_558 {strides = array<i32>} : memref<4x64xf32, #tpu.memory_space<vmem>>, vector<16xf32>,
    %eq3A_563 = arith.cmpi eq, %add3A_409, %broadcast_in_dim3A_469 : vector<16xi32>
    %select_n3A_564 = arith.select %eq3A_563, %div3A_543, %broadcast_in_dim3A_7 : vector<16xi1>, vector<16xf32>
    %eq3A_565 = arith.cmpi eq, %add3A_409, %broadcast_in_dim3A_534 : vector<16xi32>
    %select_n3A_566 = arith.select %eq3A_565, %sub3A_546, %select_n3A_564 : vector<16xi1>, vector<16xf32>
    %swap3A_567 = arith.constant 2 : i32
    %swap3A_568 = arith.index_cast %swap3A_567 : i32 to index
    %swap3A_569 = arith.constant 32 : index
    %swap3A_570 = tpu.vector_load %arg5[%swap3A_568, %swap3A_569] {strides = array<i32>} : memref<4x64xf32, #tpu.memory_space<vmem>>, vector<16xf32>,
    tpu.vector_store %arg5[%swap3A_568, %swap3A_569], %select_n3A_566 {strides = array<i32>} : memref<4x64xf32, #tpu.memory_space<vmem>>, vector<16xf32>,
    %eq3A_571 = arith.cmpi eq, %add3A_412, %broadcast_in_dim3A_469 : vector<16xi32>
    %select_n3A_572 = arith.select %eq3A_571, %div3A_543, %broadcast_in_dim3A_7 : vector<16xi1>, vector<16xf32>
    %eq3A_573 = arith.cmpi eq, %add3A_412, %broadcast_in_dim3A_534 : vector<16xi32>
    %select_n3A_574 = arith.select %eq3A_573, %sub3A_546, %select_n3A_572 : vector<16xi1>, vector<16xf32>
    %swap3A_575 = arith.constant 2 : i32
    %swap3A_576 = arith.index_cast %swap3A_575 : i32 to index
    %swap3A_577 = arith.constant 48 : index
    %swap3A_578 = tpu.vector_load %arg5[%swap3A_576, %swap3A_577] {strides = array<i32>} : memref<4x64xf32, #tpu.memory_space<vmem>>, vector<16xf32>,
    tpu.vector_store %arg5[%swap3A_576, %swap3A_577], %select_n3A_574 {strides = array<i32>} : memref<4x64xf32, #tpu.memory_space<vmem>>, vector<16xf32>,
    %get3A_579 = arith.constant 3 : i32
    %get3A_580 = arith.index_cast %get3A_579 : i32 to index
    %get3A_581 = arith.constant 0 : index
    %get3A_582 = tpu.vector_load %arg4[%get3A_580, %get3A_581] {strides = array<i32>} : memref<4x64xf32, #tpu.memory_space<vmem>>, vector<16xf32>,
    %get3A_583 = arith.constant 3 : i32
    %get3A_584 = arith.index_cast %get3A_583 : i32 to index
    %get3A_585 = arith.constant 16 : index
    %get3A_586 = tpu.vector_load %arg4[%get3A_584, %get3A_585] {strides = array<i32>} : memref<4x64xf32, #tpu.memory_space<vmem>>, vector<16xf32>,
    %get3A_587 = arith.constant 3 : i32
    %get3A_588 = arith.index_cast %get3A_587 : i32 to index
    %get3A_589 = arith.constant 32 : index
    %get3A_590 = tpu.vector_load %arg4[%get3A_588, %get3A_589] {strides = array<i32>} : memref<4x64xf32, #tpu.memory_space<vmem>>, vector<16xf32>,
    %get3A_591 = arith.constant 3 : i32
    %get3A_592 = arith.index_cast %get3A_591 : i32 to index
    %get3A_593 = arith.constant 48 : index
    %get3A_594 = tpu.vector_load %arg4[%get3A_592, %get3A_593] {strides = array<i32>} : memref<4x64xf32, #tpu.memory_space<vmem>>, vector<16xf32>,
    %add3A_595 = arith.constant 0 : i32
    %add3A_596 = vector.broadcast %add3A_595 : i32 to vector<16xi32>
    %add3A_597 = arith.addi %iota3A, %add3A_596 : vector<16xi32>
    %add3A_598 = arith.constant 16 : i32
    %add3A_599 = vector.broadcast %add3A_598 : i32 to vector<16xi32>
    %add3A_600 = arith.addi %iota3A, %add3A_599 : vector<16xi32>
    %add3A_601 = arith.constant 32 : i32
    %add3A_602 = vector.broadcast %add3A_601 : i32 to vector<16xi32>
    %add3A_603 = arith.addi %iota3A, %add3A_602 : vector<16xi32>
    %add3A_604 = arith.constant 48 : i32
    %add3A_605 = vector.broadcast %add3A_604 : i32 to vector<16xi32>
    %add3A_606 = arith.addi %iota3A, %add3A_605 : vector<16xi32>
    %max3A_607 = arith.maximumf %get3A_582, %get3A_586 : vector<16xf32>
    %max3A_608 = arith.maximumf %max3A_607, %get3A_590 : vector<16xf32>
    %max3A_609 = arith.maximumf %max3A_608, %get3A_594 : vector<16xf32>
    %reduce_max3A_610 = arith.constant true
    %reduce_max3A_611 = vector.broadcast %reduce_max3A_610 : i1 to vector<16xi1>
    %reduce_max3A_612 = tpu.scan <max>, %max3A_609 masked %reduce_max3A_611 : vector<16xf32>, vector<16xi1> -> vector<16xf32>
    %reduce_max3A_613 = vector.extract %reduce_max3A_612[15] : f32 from vector<16xf32>
    %broadcast_in_dim3A_614 = vector.broadcast %reduce_max3A_613 : f32 to vector<16xf32>
    %eq3A_615 = arith.cmpf oeq, %get3A_582, %broadcast_in_dim3A_614 : vector<16xf32>
    %select_n3A_616 = arith.select %eq3A_615, %add3A_597, %broadcast_in_dim3A_3 : vector<16xi1>, vector<16xi32>
    %reduce_min3A_617 = arith.constant true
    %reduce_min3A_618 = vector.broadcast %reduce_min3A_617 : i1 to vector<16xi1>
    %reduce_min3A_619 = arith.constant -2147483648 : i32
    %reduce_min3A_620 = vector.broadcast %reduce_min3A_619 : i32 to vector<16xi32>
    %reduce_min3A_621 = arith.xori %select_n3A_616, %reduce_min3A_620 : vector<16xi32>
    %reduce_min3A_622 = tpu.scan <min>, %reduce_min3A_621 masked %reduce_min3A_618 : vector<16xi32>, vector<16xi1> -> vector<16xi32>
    %reduce_min3A_623 = arith.xori %reduce_min3A_622, %reduce_min3A_620 : vector<16xi32>
    %reduce_min3A_624 = vector.extract %reduce_min3A_623[15] : i32 from vector<16xi32>
    %min3A_625 = arith.constant 128 : i32
    %min3A_626 = arith.minsi %min3A_625, %reduce_min3A_624 : i32
    %broadcast_in_dim3A_627 = vector.broadcast %reduce_max3A_613 : f32 to vector<16xf32>
    %eq3A_628 = arith.cmpf oeq, %get3A_586, %broadcast_in_dim3A_627 : vector<16xf32>
    %select_n3A_629 = arith.select %eq3A_628, %add3A_600, %broadcast_in_dim3A_3 : vector<16xi1>, vector<16xi32>
    %reduce_min3A_630 = arith.constant true
    %reduce_min3A_631 = vector.broadcast %reduce_min3A_630 : i1 to vector<16xi1>
    %reduce_min3A_632 = arith.constant -2147483648 : i32
    %reduce_min3A_633 = vector.broadcast %reduce_min3A_632 : i32 to vector<16xi32>
    %reduce_min3A_634 = arith.xori %select_n3A_629, %reduce_min3A_633 : vector<16xi32>
    %reduce_min3A_635 = tpu.scan <min>, %reduce_min3A_634 masked %reduce_min3A_631 : vector<16xi32>, vector<16xi1> -> vector<16xi32>
    %reduce_min3A_636 = arith.xori %reduce_min3A_635, %reduce_min3A_633 : vector<16xi32>
    %reduce_min3A_637 = vector.extract %reduce_min3A_636[15] : i32 from vector<16xi32>
    %min3A_638 = arith.minsi %min3A_626, %reduce_min3A_637 : i32
    %broadcast_in_dim3A_639 = vector.broadcast %reduce_max3A_613 : f32 to vector<16xf32>
    %eq3A_640 = arith.cmpf oeq, %get3A_590, %broadcast_in_dim3A_639 : vector<16xf32>
    %select_n3A_641 = arith.select %eq3A_640, %add3A_603, %broadcast_in_dim3A_3 : vector<16xi1>, vector<16xi32>
    %reduce_min3A_642 = arith.constant true
    %reduce_min3A_643 = vector.broadcast %reduce_min3A_642 : i1 to vector<16xi1>
    %reduce_min3A_644 = arith.constant -2147483648 : i32
    %reduce_min3A_645 = vector.broadcast %reduce_min3A_644 : i32 to vector<16xi32>
    %reduce_min3A_646 = arith.xori %select_n3A_641, %reduce_min3A_645 : vector<16xi32>
    %reduce_min3A_647 = tpu.scan <min>, %reduce_min3A_646 masked %reduce_min3A_643 : vector<16xi32>, vector<16xi1> -> vector<16xi32>
    %reduce_min3A_648 = arith.xori %reduce_min3A_647, %reduce_min3A_645 : vector<16xi32>
    %reduce_min3A_649 = vector.extract %reduce_min3A_648[15] : i32 from vector<16xi32>
    %min3A_650 = arith.minsi %min3A_638, %reduce_min3A_649 : i32
    %broadcast_in_dim3A_651 = vector.broadcast %reduce_max3A_613 : f32 to vector<16xf32>
    %eq3A_652 = arith.cmpf oeq, %get3A_594, %broadcast_in_dim3A_651 : vector<16xf32>
    %select_n3A_653 = arith.select %eq3A_652, %add3A_606, %broadcast_in_dim3A_3 : vector<16xi1>, vector<16xi32>
    %reduce_min3A_654 = arith.constant true
    %reduce_min3A_655 = vector.broadcast %reduce_min3A_654 : i1 to vector<16xi1>
    %reduce_min3A_656 = arith.constant -2147483648 : i32
    %reduce_min3A_657 = vector.broadcast %reduce_min3A_656 : i32 to vector<16xi32>
    %reduce_min3A_658 = arith.xori %select_n3A_653, %reduce_min3A_657 : vector<16xi32>
    %reduce_min3A_659 = tpu.scan <min>, %reduce_min3A_658 masked %reduce_min3A_655 : vector<16xi32>, vector<16xi1> -> vector<16xi32>
    %reduce_min3A_660 = arith.xori %reduce_min3A_659, %reduce_min3A_657 : vector<16xi32>
    %reduce_min3A_661 = vector.extract %reduce_min3A_660[15] : i32 from vector<16xi32>
    %min3A_662 = arith.minsi %min3A_650, %reduce_min3A_661 : i32
    %broadcast_in_dim3A_663 = vector.broadcast %min3A_662 : i32 to vector<16xi32>
    %eq3A_664 = arith.cmpi eq, %add3A_597, %broadcast_in_dim3A_663 : vector<16xi32>
    %select_n3A_665 = arith.select %eq3A_664, %broadcast_in_dim3A_5, %get3A_582 : vector<16xi1>, vector<16xf32>
    %eq3A_666 = arith.cmpi eq, %add3A_600, %broadcast_in_dim3A_663 : vector<16xi32>
    %select_n3A_667 = arith.select %eq3A_666, %broadcast_in_dim3A_5, %get3A_586 : vector<16xi1>, vector<16xf32>
    %eq3A_668 = arith.cmpi eq, %add3A_603, %broadcast_in_dim3A_663 : vector<16xi32>
    %select_n3A_669 = arith.select %eq3A_668, %broadcast_in_dim3A_5, %get3A_590 : vector<16xi1>, vector<16xf32>
    %eq3A_670 = arith.cmpi eq, %add3A_606, %broadcast_in_dim3A_663 : vector<16xi32>
    %select_n3A_671 = arith.select %eq3A_670, %broadcast_in_dim3A_5, %get3A_594 : vector<16xi1>, vector<16xf32>
    %max3A_672 = arith.maximumf %select_n3A_665, %select_n3A_667 : vector<16xf32>
    %max3A_673 = arith.maximumf %max3A_672, %select_n3A_669 : vector<16xf32>
    %max3A_674 = arith.maximumf %max3A_673, %select_n3A_671 : vector<16xf32>
    %reduce_max3A_675 = arith.constant true
    %reduce_max3A_676 = vector.broadcast %reduce_max3A_675 : i1 to vector<16xi1>
    %reduce_max3A_677 = tpu.scan <max>, %max3A_674 masked %reduce_max3A_676 : vector<16xf32>, vector<16xi1> -> vector<16xf32>
    %reduce_max3A_678 = vector.extract %reduce_max3A_677[15] : f32 from vector<16xf32>
    %broadcast_in_dim3A_679 = vector.broadcast %reduce_max3A_678 : f32 to vector<16xf32>
    %eq3A_680 = arith.cmpf oeq, %select_n3A_665, %broadcast_in_dim3A_679 : vector<16xf32>
    %select_n3A_681 = arith.select %eq3A_680, %add3A_597, %broadcast_in_dim3A_3 : vector<16xi1>, vector<16xi32>
    %reduce_min3A_682 = arith.constant true
    %reduce_min3A_683 = vector.broadcast %reduce_min3A_682 : i1 to vector<16xi1>
    %reduce_min3A_684 = arith.constant -2147483648 : i32
    %reduce_min3A_685 = vector.broadcast %reduce_min3A_684 : i32 to vector<16xi32>
    %reduce_min3A_686 = arith.xori %select_n3A_681, %reduce_min3A_685 : vector<16xi32>
    %reduce_min3A_687 = tpu.scan <min>, %reduce_min3A_686 masked %reduce_min3A_683 : vector<16xi32>, vector<16xi1> -> vector<16xi32>
    %reduce_min3A_688 = arith.xori %reduce_min3A_687, %reduce_min3A_685 : vector<16xi32>
    %reduce_min3A_689 = vector.extract %reduce_min3A_688[15] : i32 from vector<16xi32>
    %min3A_690 = arith.constant 128 : i32
    %min3A_691 = arith.minsi %min3A_690, %reduce_min3A_689 : i32
    %broadcast_in_dim3A_692 = vector.broadcast %reduce_max3A_678 : f32 to vector<16xf32>
    %eq3A_693 = arith.cmpf oeq, %select_n3A_667, %broadcast_in_dim3A_692 : vector<16xf32>
    %select_n3A_694 = arith.select %eq3A_693, %add3A_600, %broadcast_in_dim3A_3 : vector<16xi1>, vector<16xi32>
    %reduce_min3A_695 = arith.constant true
    %reduce_min3A_696 = vector.broadcast %reduce_min3A_695 : i1 to vector<16xi1>
    %reduce_min3A_697 = arith.constant -2147483648 : i32
    %reduce_min3A_698 = vector.broadcast %reduce_min3A_697 : i32 to vector<16xi32>
    %reduce_min3A_699 = arith.xori %select_n3A_694, %reduce_min3A_698 : vector<16xi32>
    %reduce_min3A_700 = tpu.scan <min>, %reduce_min3A_699 masked %reduce_min3A_696 : vector<16xi32>, vector<16xi1> -> vector<16xi32>
    %reduce_min3A_701 = arith.xori %reduce_min3A_700, %reduce_min3A_698 : vector<16xi32>
    %reduce_min3A_702 = vector.extract %reduce_min3A_701[15] : i32 from vector<16xi32>
    %min3A_703 = arith.minsi %min3A_691, %reduce_min3A_702 : i32
    %broadcast_in_dim3A_704 = vector.broadcast %reduce_max3A_678 : f32 to vector<16xf32>
    %eq3A_705 = arith.cmpf oeq, %select_n3A_669, %broadcast_in_dim3A_704 : vector<16xf32>
    %select_n3A_706 = arith.select %eq3A_705, %add3A_603, %broadcast_in_dim3A_3 : vector<16xi1>, vector<16xi32>
    %reduce_min3A_707 = arith.constant true
    %reduce_min3A_708 = vector.broadcast %reduce_min3A_707 : i1 to vector<16xi1>
    %reduce_min3A_709 = arith.constant -2147483648 : i32
    %reduce_min3A_710 = vector.broadcast %reduce_min3A_709 : i32 to vector<16xi32>
    %reduce_min3A_711 = arith.xori %select_n3A_706, %reduce_min3A_710 : vector<16xi32>
    %reduce_min3A_712 = tpu.scan <min>, %reduce_min3A_711 masked %reduce_min3A_708 : vector<16xi32>, vector<16xi1> -> vector<16xi32>
    %reduce_min3A_713 = arith.xori %reduce_min3A_712, %reduce_min3A_710 : vector<16xi32>
    %reduce_min3A_714 = vector.extract %reduce_min3A_713[15] : i32 from vector<16xi32>
    %min3A_715 = arith.minsi %min3A_703, %reduce_min3A_714 : i32
    %broadcast_in_dim3A_716 = vector.broadcast %reduce_max3A_678 : f32 to vector<16xf32>
    %eq3A_717 = arith.cmpf oeq, %select_n3A_671, %broadcast_in_dim3A_716 : vector<16xf32>
    %select_n3A_718 = arith.select %eq3A_717, %add3A_606, %broadcast_in_dim3A_3 : vector<16xi1>, vector<16xi32>
    %reduce_min3A_719 = arith.constant true
    %reduce_min3A_720 = vector.broadcast %reduce_min3A_719 : i1 to vector<16xi1>
    %reduce_min3A_721 = arith.constant -2147483648 : i32
    %reduce_min3A_722 = vector.broadcast %reduce_min3A_721 : i32 to vector<16xi32>
    %reduce_min3A_723 = arith.xori %select_n3A_718, %reduce_min3A_722 : vector<16xi32>
    %reduce_min3A_724 = tpu.scan <min>, %reduce_min3A_723 masked %reduce_min3A_720 : vector<16xi32>, vector<16xi1> -> vector<16xi32>
    %reduce_min3A_725 = arith.xori %reduce_min3A_724, %reduce_min3A_722 : vector<16xi32>
    %reduce_min3A_726 = vector.extract %reduce_min3A_725[15] : i32 from vector<16xi32>
    %min3A_727 = arith.minsi %min3A_715, %reduce_min3A_726 : i32
    %broadcast_in_dim3A_728 = vector.broadcast %min3A_727 : i32 to vector<16xi32>
    %sub3A_729 = arith.subf %reduce_max3A_678, %reduce_max3A_613 : f32
    %broadcast_in_dim3A_730 = vector.broadcast %sub3A_729 : f32 to vector<16xf32>
    %exp3A_731 = math.exp %broadcast_in_dim3A_730 : vector<16xf32>
    %add3A_732 = arith.constant 1.000000e+00 : f32
    %add3A_733 = vector.broadcast %add3A_732 : f32 to vector<16xf32>
    %add3A_734 = arith.addf %add3A_733, %exp3A_731 : vector<16xf32>
    %div3A_735 = arith.constant 1.000000e+00 : f32
    %div3A_736 = vector.broadcast %div3A_735 : f32 to vector<16xf32>
    %div3A_737 = arith.divf %div3A_736, %add3A_734 : vector<16xf32>
    %sub3A_738 = arith.constant 1.000000e+00 : f32
    %sub3A_739 = vector.broadcast %sub3A_738 : f32 to vector<16xf32>
    %sub3A_740 = arith.subf %sub3A_739, %div3A_737 : vector<16xf32>
    %eq3A_741 = arith.cmpi eq, %add3A_597, %broadcast_in_dim3A_663 : vector<16xi32>
    %select_n3A_742 = arith.select %eq3A_741, %div3A_737, %broadcast_in_dim3A_7 : vector<16xi1>, vector<16xf32>
    %eq3A_743 = arith.cmpi eq, %add3A_597, %broadcast_in_dim3A_728 : vector<16xi32>
    %select_n3A_744 = arith.select %eq3A_743, %sub3A_740, %select_n3A_742 : vector<16xi1>, vector<16xf32>
    %swap3A_745 = arith.constant 3 : i32
    %swap3A_746 = arith.index_cast %swap3A_745 : i32 to index
    %swap3A_747 = arith.constant 0 : index
    %swap3A_748 = tpu.vector_load %arg5[%swap3A_746, %swap3A_747] {strides = array<i32>} : memref<4x64xf32, #tpu.memory_space<vmem>>, vector<16xf32>,
    tpu.vector_store %arg5[%swap3A_746, %swap3A_747], %select_n3A_744 {strides = array<i32>} : memref<4x64xf32, #tpu.memory_space<vmem>>, vector<16xf32>,
    %eq3A_749 = arith.cmpi eq, %add3A_600, %broadcast_in_dim3A_663 : vector<16xi32>
    %select_n3A_750 = arith.select %eq3A_749, %div3A_737, %broadcast_in_dim3A_7 : vector<16xi1>, vector<16xf32>
    %eq3A_751 = arith.cmpi eq, %add3A_600, %broadcast_in_dim3A_728 : vector<16xi32>
    %select_n3A_752 = arith.select %eq3A_751, %sub3A_740, %select_n3A_750 : vector<16xi1>, vector<16xf32>
    %swap3A_753 = arith.constant 3 : i32
    %swap3A_754 = arith.index_cast %swap3A_753 : i32 to index
    %swap3A_755 = arith.constant 16 : index
    %swap3A_756 = tpu.vector_load %arg5[%swap3A_754, %swap3A_755] {strides = array<i32>} : memref<4x64xf32, #tpu.memory_space<vmem>>, vector<16xf32>,
    tpu.vector_store %arg5[%swap3A_754, %swap3A_755], %select_n3A_752 {strides = array<i32>} : memref<4x64xf32, #tpu.memory_space<vmem>>, vector<16xf32>,
    %eq3A_757 = arith.cmpi eq, %add3A_603, %broadcast_in_dim3A_663 : vector<16xi32>
    %select_n3A_758 = arith.select %eq3A_757, %div3A_737, %broadcast_in_dim3A_7 : vector<16xi1>, vector<16xf32>
    %eq3A_759 = arith.cmpi eq, %add3A_603, %broadcast_in_dim3A_728 : vector<16xi32>
    %select_n3A_760 = arith.select %eq3A_759, %sub3A_740, %select_n3A_758 : vector<16xi1>, vector<16xf32>
    %swap3A_761 = arith.constant 3 : i32
    %swap3A_762 = arith.index_cast %swap3A_761 : i32 to index
    %swap3A_763 = arith.constant 32 : index
    %swap3A_764 = tpu.vector_load %arg5[%swap3A_762, %swap3A_763] {strides = array<i32>} : memref<4x64xf32, #tpu.memory_space<vmem>>, vector<16xf32>,
    tpu.vector_store %arg5[%swap3A_762, %swap3A_763], %select_n3A_760 {strides = array<i32>} : memref<4x64xf32, #tpu.memory_space<vmem>>, vector<16xf32>,
    %eq3A_765 = arith.cmpi eq, %add3A_606, %broadcast_in_dim3A_663 : vector<16xi32>
    %select_n3A_766 = arith.select %eq3A_765, %div3A_737, %broadcast_in_dim3A_7 : vector<16xi1>, vector<16xf32>
    %eq3A_767 = arith.cmpi eq, %add3A_606, %broadcast_in_dim3A_728 : vector<16xi32>
    %select_n3A_768 = arith.select %eq3A_767, %sub3A_740, %select_n3A_766 : vector<16xi1>, vector<16xf32>
    %swap3A_769 = arith.constant 3 : i32
    %swap3A_770 = arith.index_cast %swap3A_769 : i32 to index
    %swap3A_771 = arith.constant 48 : index
    %swap3A_772 = tpu.vector_load %arg5[%swap3A_770, %swap3A_771] {strides = array<i32>} : memref<4x64xf32, #tpu.memory_space<vmem>>, vector<16xf32>,
    tpu.vector_store %arg5[%swap3A_770, %swap3A_771], %select_n3A_768 {strides = array<i32>} : memref<4x64xf32, #tpu.memory_space<vmem>>, vector<16xf32>,
    "tpu.region"() ({
      %run_scoped3A = tpu.sem_alloc : memref<!tpu.dma_semaphore, #tpu.memory_space<semaphore_mem>>
      %dma_start3A = arith.constant 0 : i32
      %dma_start3A_773 = tpu.memref_slice %arg3[%mul3A_2, %dma_start3A] : memref<128x64xf32, #tpu.memory_space<hbm>> -> memref<4x64xf32, #tpu.memory_space<hbm>>
      %dma_start3A_774 = arith.constant 0 : i32
      %dma_start3A_775 = tpu.memref_slice %arg3[%mul3A_2, %dma_start3A_774] : memref<128x64xf32, #tpu.memory_space<hbm>> -> memref<4x64xf32, #tpu.memory_space<hbm>>
      tpu.enqueue_dma source(%arg5 : memref<4x64xf32, #tpu.memory_space<vmem>>) target(%dma_start3A_775 : memref<4x64xf32, #tpu.memory_space<hbm>>) target_semaphore(%run_scoped3A : memref<!tpu.dma_semaphore, #tpu.memory_space<semaphore_mem>>)
      %dma_wait3A = arith.constant 0 : i32
      %dma_wait3A_776 = tpu.memref_slice %arg3[%mul3A_2, %dma_wait3A] : memref<128x64xf32, #tpu.memory_space<hbm>> -> memref<4x64xf32, #tpu.memory_space<hbm>>
      %dma_wait3A_777 = arith.constant 0 : i32
      %dma_wait3A_778 = tpu.memref_slice %arg3[%mul3A_2, %dma_wait3A_777] : memref<128x64xf32, #tpu.memory_space<hbm>> -> memref<4x64xf32, #tpu.memory_space<hbm>>
      tpu.wait_dma2 semaphore(%run_scoped3A : memref<!tpu.dma_semaphore, #tpu.memory_space<semaphore_mem>>) src(%arg5 : memref<4x64xf32, #tpu.memory_space<vmem>>) dst(%dma_wait3A_778 : memref<4x64xf32, #tpu.memory_space<hbm>>)
      tpu.yield
    }) : () -> ()
    return
  }
}

module attributes {stable_mosaic.version = 14 : i64} {
  func.func @_gate_kernel(%arg0: memref<128x1024xf32, #tpu.memory_space<vmem>>, %arg1: memref<1024x64xf32, #tpu.memory_space<vmem>>, %arg2: memref<128x64xf32, #tpu.memory_space<vmem>>) attributes {dimension_semantics = [], scalar_prefetch = 0 : i64, scratch_operands = 0 : i64, tpu.core_type = #tpu.core_type<tc>} {
    %get3A = arith.constant 0 : index
    %get3A_0 = arith.constant 0 : index
    %get3A_1 = vector.load %arg0[%get3A, %get3A_0] : memref<128x1024xf32, #tpu.memory_space<vmem>>, vector<128x1024xf32>
    %get3A_2 = arith.constant 0 : index
    %get3A_3 = arith.constant 0 : index
    %get3A_4 = vector.load %arg1[%get3A_2, %get3A_3] : memref<1024x64xf32, #tpu.memory_space<vmem>>, vector<1024x64xf32>
    %dot_general3A = arith.constant dense<0.000000e+00> : vector<128x64xf32>
    %dot_general3A_5 = tpu.matmul %get3A_1, %get3A_4, %dot_general3A {dimension_numbers = #tpu.dot_dimension_numbers<[1], [0], [0], [1], [0, 0, 1, 1], [], []>, transpose_lhs_hint = false} : vector<128x1024xf32>, vector<1024x64xf32>, vector<128x64xf32> -> vector<128x64xf32>
    %swap3A = arith.constant 0 : index
    %swap3A_6 = arith.constant 0 : index
    %swap3A_7 = vector.load %arg2[%swap3A, %swap3A_6] : memref<128x64xf32, #tpu.memory_space<vmem>>, vector<128x64xf32>
    tpu.vector_store %arg2[%swap3A, %swap3A_6], %dot_general3A_5 {strides = array<i32>} : memref<128x64xf32, #tpu.memory_space<vmem>>, vector<128x64xf32>,
    return
  }
}

module attributes {stable_mosaic.version = 14 : i64} {
  func.func @_expert_kernel(%arg0: i32, %arg1: memref<128x1024xf32, #tpu.memory_space<vmem>>, %arg2: memref<1x2048x1024xf32, #tpu.memory_space<vmem>>, %arg3: memref<1x1024x1024xf32, #tpu.memory_space<vmem>>, %arg4: memref<128x64xf32, #tpu.memory_space<vmem>>, %arg5: memref<128x1024xf32, #tpu.memory_space<vmem>>) attributes {dimension_semantics = [#tpu.dimension_semantics<arbitrary>], iteration_bounds = array<i64: 64>, scalar_prefetch = 0 : i64, scratch_operands = 0 : i64, tpu.core_type = #tpu.core_type<tc>, window_params = [{pipeline_mode = #tpu.pipeline_mode<synchronous>, transform_indices = @transform_0, window_bounds = array<i64: 128, 1024>}, {transform_indices = @transform_1, window_bounds = array<i64: 1, 2048, 1024>}, {transform_indices = @transform_2, window_bounds = array<i64: 1, 1024, 1024>}, {pipeline_mode = #tpu.pipeline_mode<synchronous>, transform_indices = @transform_3, window_bounds = array<i64: 128, 64>}, {pipeline_mode = #tpu.pipeline_mode<synchronous>, transform_indices = @transform_4, window_bounds = array<i64: 128, 1024>}]} {
    %eq3A = arith.constant 0 : i32
    %eq3A_0 = arith.cmpi eq, %arg0, %eq3A : i32
    %convert_element_type3A = arith.extui %eq3A_0 : i1 to i32
    %cond3A = arith.constant 0 : i32
    %cond3A_1 = arith.cmpi ne, %convert_element_type3A, %cond3A : i32
    scf.if %cond3A_1 {
      %broadcast_in_dim3A_42 = arith.constant 0.000000e+00 : f32
      %broadcast_in_dim3A_43 = vector.broadcast %broadcast_in_dim3A_42 : f32 to vector<128x1024xf32>
      %swap3A_44 = arith.constant 0 : index
      %swap3A_45 = arith.constant 0 : index
      %swap3A_46 = vector.load %arg5[%swap3A_44, %swap3A_45] : memref<128x1024xf32, #tpu.memory_space<vmem>>, vector<128x1024xf32>
      tpu.vector_store %arg5[%swap3A_44, %swap3A_45], %broadcast_in_dim3A_43 {strides = array<i32>} : memref<128x1024xf32, #tpu.memory_space<vmem>>, vector<128x1024xf32>,
    } else {
    }
    %get3A = arith.constant 0 : index
    %get3A_2 = arith.constant 0 : index
    %get3A_3 = vector.load %arg1[%get3A, %get3A_2] : memref<128x1024xf32, #tpu.memory_space<vmem>>, vector<128x1024xf32>
    %convert_element_type3A_4 = arith.truncf %get3A_3 : vector<128x1024xf32> to vector<128x1024xbf16>
    %get3A_5 = arith.constant 0 : index
    %get3A_6 = arith.constant 0 : index
    %get3A_7 = arith.constant 0 : index
    %get3A_8 = vector.load %arg2[%get3A_5, %get3A_6, %get3A_7] : memref<1x2048x1024xf32, #tpu.memory_space<vmem>>, vector<1x2048x1024xf32>
    %get3A_9 = vector.shape_cast %get3A_8 : vector<1x2048x1024xf32> to vector<2048x1024xf32>
    %convert_element_type3A_10 = arith.truncf %get3A_9 : vector<2048x1024xf32> to vector<2048x1024xbf16>
    %dot_general3A = arith.constant dense<0.000000e+00> : vector<128x2048xf32>
    %dot_general3A_11 = tpu.matmul %convert_element_type3A_4, %convert_element_type3A_10, %dot_general3A {dimension_numbers = #tpu.dot_dimension_numbers<[1], [1], [0], [0], [0, 0, 1, 0], [], []>, transpose_lhs_hint = false} : vector<128x1024xbf16>, vector<2048x1024xbf16>, vector<128x2048xf32> -> vector<128x2048xf32>
    %slice3A = vector.extract_strided_slice %dot_general3A_11 {offsets = [0, 0], sizes = [128, 1024], strides = [1, 1]} : vector<128x2048xf32> to vector<128x1024xf32>
    %slice3A_12 = vector.extract_strided_slice %dot_general3A_11 {offsets = [0, 1024], sizes = [128, 1024], strides = [1, 1]} : vector<128x2048xf32> to vector<128x1024xf32>
    %logistic3A = arith.negf %slice3A : vector<128x1024xf32>
    %logistic3A_13 = math.exp %logistic3A : vector<128x1024xf32>
    %logistic3A_14 = arith.constant 1.000000e+00 : f32
    %logistic3A_15 = vector.broadcast %logistic3A_14 : f32 to vector<128x1024xf32>
    %logistic3A_16 = arith.addf %logistic3A_15, %logistic3A_13 : vector<128x1024xf32>
    %logistic3A_17 = arith.divf %logistic3A_15, %logistic3A_16 : vector<128x1024xf32>
    %mul3A = arith.mulf %slice3A, %logistic3A_17 : vector<128x1024xf32>
    %mul3A_18 = arith.mulf %mul3A, %slice3A_12 : vector<128x1024xf32>
    %get3A_19 = arith.constant 0 : index
    %get3A_20 = arith.constant 0 : index
    %get3A_21 = arith.constant 0 : index
    %get3A_22 = vector.load %arg3[%get3A_19, %get3A_20, %get3A_21] : memref<1x1024x1024xf32, #tpu.memory_space<vmem>>, vector<1x1024x1024xf32>
    %get3A_23 = vector.shape_cast %get3A_22 : vector<1x1024x1024xf32> to vector<1024x1024xf32>
    %convert_element_type3A_24 = arith.truncf %get3A_23 : vector<1024x1024xf32> to vector<1024x1024xbf16>
    %convert_element_type3A_25 = arith.truncf %mul3A_18 : vector<128x1024xf32> to vector<128x1024xbf16>
    %dot_general3A_26 = arith.constant dense<0.000000e+00> : vector<128x1024xf32>
    %dot_general3A_27 = tpu.matmul %convert_element_type3A_25, %convert_element_type3A_24, %dot_general3A_26 {dimension_numbers = #tpu.dot_dimension_numbers<[1], [1], [0], [0], [0, 0, 1, 0], [], []>, transpose_lhs_hint = false} : vector<128x1024xbf16>, vector<1024x1024xbf16>, vector<128x1024xf32> -> vector<128x1024xf32>
    %get3A_28 = arith.constant 0 : index
    %get3A_29 = arith.constant 0 : index
    %get3A_30 = vector.load %arg4[%get3A_28, %get3A_29] : memref<128x64xf32, #tpu.memory_space<vmem>>, vector<128x64xf32>
    %iota3A = tpu.iota {dimensions = array<i32: 1>} : vector<128x64xi32>
    %eq3A_31 = vector.broadcast %arg0 : i32 to vector<128x64xi32>
    %eq3A_32 = arith.cmpi eq, %iota3A, %eq3A_31 : vector<128x64xi32>
    %jit3A = arith.constant 0.000000e+00 : f32
    %broadcast_in_dim3A = vector.broadcast %jit3A : f32 to vector<128x64xf32>
    %select_n3A = arith.select %eq3A_32, %get3A_30, %broadcast_in_dim3A : vector<128x64xi1>, vector<128x64xf32>
    %reduce_sum3A = arith.constant dense<0.000000e+00> : vector<128xf32>
    %reduce_sum3A_33 = vector.multi_reduction <add>, %select_n3A, %reduce_sum3A [1] : vector<128x64xf32> to vector<128xf32>
    %broadcast_in_dim3A_34 = vector.shape_cast %reduce_sum3A_33 : vector<128xf32> to vector<128x1xf32>
    %get3A_35 = arith.constant 0 : index
    %get3A_36 = arith.constant 0 : index
    %get3A_37 = vector.load %arg5[%get3A_35, %get3A_36] : memref<128x1024xf32, #tpu.memory_space<vmem>>, vector<128x1024xf32>
    %mul3A_38 = vector.broadcast %broadcast_in_dim3A_34 : vector<128x1xf32> to vector<128x1024xf32>
    %mul3A_39 = arith.mulf %mul3A_38, %dot_general3A_27 : vector<128x1024xf32>
    %add3A = arith.addf %get3A_37, %mul3A_39 : vector<128x1024xf32>
    %swap3A = arith.constant 0 : index
    %swap3A_40 = arith.constant 0 : index
    %swap3A_41 = vector.load %arg5[%swap3A, %swap3A_40] : memref<128x1024xf32, #tpu.memory_space<vmem>>, vector<128x1024xf32>
    tpu.vector_store %arg5[%swap3A, %swap3A_40], %add3A {strides = array<i32>} : memref<128x1024xf32, #tpu.memory_space<vmem>>, vector<128x1024xf32>,
    return
  }
  func.func @transform_0(%arg0: i32) -> (i32, i32) {
    %c0_i32 = arith.constant 0 : i32
    %c0_i32_0 = arith.constant 0 : i32
    %c0_i32_1 = arith.constant 0 : i32
    return %c0_i32, %c0_i32_0 : i32, i32
  }
  func.func @transform_1(%arg0: i32) -> (i32, i32, i32) {
    %c0_i32 = arith.constant 0 : i32
    %c0_i32_0 = arith.constant 0 : i32
    %c0_i32_1 = arith.constant 0 : i32
    return %arg0, %c0_i32, %c0_i32_0 : i32, i32, i32
  }
  func.func @transform_2(%arg0: i32) -> (i32, i32, i32) {
    %c0_i32 = arith.constant 0 : i32
    %c0_i32_0 = arith.constant 0 : i32
    %c0_i32_1 = arith.constant 0 : i32
    return %arg0, %c0_i32, %c0_i32_0 : i32, i32, i32
  }
  func.func @transform_3(%arg0: i32) -> (i32, i32) {
    %c0_i32 = arith.constant 0 : i32
    %c0_i32_0 = arith.constant 0 : i32
    %c0_i32_1 = arith.constant 0 : i32
    return %c0_i32, %c0_i32_0 : i32, i32
  }
  func.func @transform_4(%arg0: i32) -> (i32, i32) {
    %c0_i32 = arith.constant 0 : i32
    %c0_i32_0 = arith.constant 0 : i32
    %c0_i32_1 = arith.constant 0 : i32
    return %c0_i32, %c0_i32_0 : i32, i32
  }
}

</mosaic_0001>

<sc_bundles>
// kernel: kernel.5.cloned.1.call-start
scs
__scs_entry_jumppad:
0x0: {  	(pc) =	sbr.rel $0x88, $3  }
0x1: {  	(tag) =	ssettag $0x0;
	lr =	simm.s32 $0x1  }
0x2: {  	[smem:$0x3F9D] =	sst lr;
	_ =	strace $0xD0000000  }
0x3: {  	_ = 	snop  }
0x4: {  	_ = 	snop  }
0x5: {  	_ = 	snop  }
0x6: {  	_ = 	snop  }
0x7: {  	_ = 	snop  }
__scs_overlays_trampoline_lowered:
0x8: {  	[smem:$0x3FAC] =	sst s0  }
0x9: {  	[smem:$0x3FAD] =	sst s1  }
0xa: {  	[smem:$0x3FAE] =	sst s2  }
0xb: {  	[smem:$0x3FAF] =	sst s3  }
0xc: {  	[smem:$0x3FB0] =	sst s4  }
0xd: {  	[smem:$0x3FB1] =	sst s5  }
0xe: {  	[smem:$0x3FB2] =	sst s6  }
0xf: {  	[smem:$0x3FB3] =	sst s7  }
0x10: {  	[smem:$0x3FB4] =	sst s8  }
0x11: {  	[smem:$0x3FB5] =	sst s9;
	s0 =	simm.s32 @!p0 $0x0  }
0x12: {  	s1 =	sld [smem:$0x3F9B];
	s0 =	simm.s32 @p0 $0x1  }
0x13: {  	[smem:$0x3FB6] =	sst s0;
	s0 =	simm.s32 @!p1 $0x0  }
0x14: {  	s2 =	sld [smem:$0x3F9A];
	s0 =	simm.s32 @p1 $0x1  }
0x15: {  	[smem:$0x3FB7] =	sst s0;
	s0 =	simm.s32 @!p2 $0x0  }
0x16: {  	s3 =	sld [smem:$0x3FDB];
	s0 =	simm.s32 @p2 $0x1  }
0x17: {  	s4 =	simm.s32 $0x1BF5;
	[smem:$0x3FB9] =	sst s0  }
0x18: {  	s0 =	sld [smem:$0x3F9C];
	_ =	swait.ge [sflag:s4], $0x0  }
0x19: {  	s7 =	sld [smem:$0x3F9D]  }
0x1a: {  	s8 =	sadd.s32 $0xFFFFE003, lr  }
0x1b: {  	s9 =	sadd.s32 $0xFFFFFEF7, lr;
	s5 =	simm.s32 $0xFFFFFFFF;
	p2 =	slt.u32 s8, $0xFFFFF086  }
0x1c: {  	p1 =	slt.u32 s9, $0xF7A;
	s5 =	simm.s32 @!p2 $0x0  }
0x1d: {  	s5 =	simm.s32 @p1 $0x1;
	p0 =	seq.s32 s7, s2  }
0x1e: {  	s7 =	smul.u32 @!p0 $0xF7A, s2;
	p2 =	seq.s32 @!p0 s5, $0x0  }
0x1f: {  	s9 =	smul.u32 $0xF7A, s1;
	s8 =	simm.s32 @!p0 $0x1BF5;
	p2 =	por !p2, p0  }
0x20: {  	[sflag:s8] =	ssyncset.s32 @!p0 $0xFFFFF086;
	s6 =	sadd.s32 @!p0 s3, s7;
	s7 =	simm.s32 @!p0 $0x108  }
0x21: {  	s3 =	sadd.s32 s3, s9;
	s6 =	sadd.s32 @!p0 $0x88, s6;
	s7 =	simm.s32 @p2 $0x1082  }
0x22: {  	[simem:s7], [sflag:s8] =	dma.local @!p0 [hbm:s6], $0xF7A  }
0x23: {  	s9 =	sor.u32 $0xD0000000, s2;
	s6 =	simm.s32 $0x108;
	_ =	swait.ge @!p0 [sflag:s8], $0x0  }
0x24: {  	s3 =	sadd.s32 $0x88, s3;
	s6 =	simm.s32 @!p1 $0x1082;
	[sflag:s4] =	ssyncset.s32 $0xFFFFF086  }
0x25: {  	[simem:s6], [sflag:s4] =	dma.local [hbm:s3], $0xF7A  }
0x26: {  	[smem:$0x3F9D] =	sst s1;
	(tag) =	ssettag s2;
	_ =	strace s9  }
0x27: {  	s1 =	sld [smem:$0x3FAD]  }
0x28: {  	s2 =	sld [smem:$0x3FAE]  }
0x29: {  	s4 =	sld [smem:$0x3FB0]  }
0x2a: {  	p0 =	seq.s32 s5, $0x0;
	s5 =	sld [smem:$0x3FB1]  }
0x2b: {  	s6 =	sld [smem:$0x3FB2]  }
0x2c: {  	s7 =	sld [smem:$0x3FB3]  }
0x2d: {  	s3 =	simm.s32 $0x108;
	s8 =	sld [smem:$0x3FB4]  }
0x2e: {  	s3 =	simm.s32 @!p0 $0x1082;
	s9 =	sld [smem:$0x3FB5]  }
0x2f: {  	lr =	sadd.s32 s0, s3;
	s0 =	sld [smem:$0x3FAC]  }
0x30: {  	s3 =	sld [smem:$0x3FAF]  }
0x31: {  	[smem:$0x3FB8] =	sst s10  }
0x32: {  	s10 =	sld [smem:$0x3FB6];
	_ =	sdelay $0x3  }
0x33: {  	p0 =	seq.s32 s10, $0x1;
	s10 =	sld [smem:$0x3FB8];
	_ =	sdelay $0x3  }
0x34: {  	[smem:$0x3FB8] =	sst s10  }
0x35: {  	s10 =	sld [smem:$0x3FB7];
	_ =	sdelay $0x3  }
0x36: {  	p1 =	seq.s32 s10, $0x1;
	s10 =	sld [smem:$0x3FB8];
	_ =	sdelay $0x3  }
0x37: {  	[smem:$0x3FB8] =	sst s10  }
0x38: {  	s10 =	sld [smem:$0x3FB9]  }
0x39: {  	_ = 	snop;
	(pc) =	sbr.ind lr, $3  }
0x3a: {  	_ = 	snop  }
0x3b: {  	_ = 	snop  }
0x3c: {  	p2 =	seq.s32 s10, $0x1;
	s10 =	sld [smem:$0x3FB8]  }
0x3d: {  	_ =	shalt  }
0x3e: {  	_ =	shalt  }
0x3f: {  	_ =	shalt  }
0x40: {  	_ =	shalt  }
0x41: {  	_ =	shalt  }
0x42: {  	_ =	shalt  }
0x43: {  	_ =	shalt  }
0x44: {  	_ =	shalt  }
0x45: {  	_ =	shalt  }
0x46: {  	_ =	shalt  }
0x47: {  	_ =	shalt  }
0x48: {  	_ =	shalt  }
0x49: {  	_ =	shalt  }
0x4a: {  	_ =	shalt  }
0x4b: {  	_ =	shalt  }
0x4c: {  	_ =	shalt  }
0x4d: {  	_ =	shalt  }
0x4e: {  	_ =	shalt  }
0x4f: {  	_ =	shalt  }
0x50: {  	_ =	shalt  }
0x51: {  	_ =	shalt  }
0x52: {  	_ =	shalt  }
0x53: {  	_ =	shalt  }
0x54: {  	_ =	shalt  }
0x55: {  	_ =	shalt  }
0x56: {  	_ =	shalt  }
0x57: {  	_ =	shalt  }
0x58: {  	_ =	shalt  }
0x59: {  	_ =	shalt  }
0x5a: {  	_ =	shalt  }
0x5b: {  	_ =	shalt  }
0x5c: {  	_ =	shalt  }
0x5d: {  	_ =	shalt  }
0x5e: {  	_ =	shalt  }
0x5f: {  	_ =	shalt  }
0x60: {  	_ =	shalt  }
0x61: {  	_ =	shalt  }
0x62: {  	_ =	shalt  }
0x63: {  	_ =	shalt  }
0x64: {  	_ =	shalt  }
0x65: {  	_ =	shalt  }
0x66: {  	_ =	shalt  }
0x67: {  	_ =	shalt  }
0x68: {  	_ =	shalt  }
0x69: {  	_ =	shalt  }
0x6a: {  	_ =	shalt  }
0x6b: {  	_ =	shalt  }
0x6c: {  	_ =	shalt  }
0x6d: {  	_ =	shalt  }
0x6e: {  	_ =	shalt  }
0x6f: {  	_ =	shalt  }
0x70: {  	_ =	shalt  }
0x71: {  	_ =	shalt  }
0x72: {  	_ =	shalt  }
0x73: {  	_ =	shalt  }
0x74: {  	_ =	shalt  }
0x75: {  	_ =	shalt  }
0x76: {  	_ =	shalt  }
0x77: {  	_ =	shalt  }
0x78: {  	_ =	shalt  }
0x79: {  	_ =	shalt  }
0x7a: {  	_ =	shalt  }
0x7b: {  	_ =	shalt  }
0x7c: {  	_ =	shalt  }
0x7d: {  	_ =	shalt  }
0x7e: {  	_ =	shalt  }
0x7f: {  	_ =	shalt  }
0x80: {  	_ =	shalt  }
0x81: {  	_ =	shalt  }
0x82: {  	_ =	shalt  }
0x83: {  	_ =	shalt  }
0x84: {  	_ =	shalt  }
0x85: {  	_ =	shalt  }
0x86: {  	_ =	shalt  }
0x87: {  	_ =	shalt  }
.Lfunc_end0:
.L_simem_size_0:
called_computation_lowered:
.L_overlay_start_0:
0x88: {  	s2 =	sld [smem:$0x3FD9]  }
0x89: {  	s3 =	sld [smem:$0x3FFE];
	_ =	sdelay $0x1  }
0x8a: {  	s1 =	srdreg.scid  }
0x8b: {  	s0 =	sand.u32 $0x1, s1  }
0x8c: {  	s14 =	sshll.u32 s0, $0xA;
	s2 =	sadd.s32 s3, s2  }
0x8d: {  	s2 =	sadd.s32 s2, s14  }
0x8e: {  	[smem:$0x3FC4] =	sst s2  }
0x8f: {  	_ = 	snop  }
0x90: {  	s2 =	sld [smem:$0x3FD0];
	_ =	sdelay $0x2  }
0x91: {  	s15 =	simm.s32 $0xA;
	s4 =	simm.s32 $0x10  }
0x92: {  	[smem:s4], [sflag:s15] =	dma.local [hbm:s2], $0x1  }
0x93: {  	_ =	swait.eq [sflag:s15], $0x1  }
0x94: {  	[sflag:s15] =	ssyncset.done $0x0  }
0x95: {  	[sflag:s15] =	ssyncadd.s32 $0xFFFFFFFF  }
0x96: {  	s16 =	sld [smem:$0x10];
	(tm) =	ssettm $0x1  }
0x97: {  	s17 =	sld [smem:$0x3FFB];
	_ =	sdelay $0x3  }
0x98: {  	_ =	strace s17  }
0x99: {  	s3 =	sld [smem:$0x3FFC];
	_ =	sdelay $0x3  }
0x9a: {  	_ =	strace s3  }
0x9b: {  	s3 =	sld [smem:$0x3FFD];
	_ =	sdelay $0x3  }
0x9c: {  	_ =	strace s3  }
0x9d: {  	_ =	strace $0x8FFFFFFF  }
0x9e: {  	s18 =	sld [smem:$0x3FDB];
	_ =	sdelay $0x1  }
0x9f: {  	s19 =	simm.s32 $_scs_section_size  }
0xa0: {  	s5 =	simm.s32 $_size__tile_overlayer_lowered;
	s6 =	simm.s32 $_tile_overlayer_lowered  }
0xa1: {  	s22 =	simm.s32 $0x1BFF;
	s21 =	sshll.u32 s6, $0x1;
	s3 =	sadd.s32 s19, s18  }
0xa2: {  	s7 =	simm.s32 $0x0;
	s20 =	sshll.u32 s5, $0x1;
	s5 =	sadd.s32 s21, s3  }
0xa3: {  	[timem:s7], [sflag:s22] =	dma.local [hbm:s5], s20  }
0xa4: {  	_ =	swait.ge [sflag:s22], s20  }
0xa5: {  	s4 =	ssub.s32 $0x0, s20;
	[sflag:s22] =	ssyncset.done $0x0  }
0xa6: {  	[sflag:s22] =	ssyncadd.s32 s4;
	_ =	sdelay $0x1  }
0xa7: {  	s23 =	simm.s32 $0x1B8B  }
0xa8: {  	_ =	swait.ge [sflag:s23], $0x1  }
0xa9: {  	[sflag:s23] =	ssyncset.done $0x0  }
0xaa: {  	s25 =	simm.s32 $0x1B8E;
	s24 =	sld [smem:$0x3FFE];
	[sflag:s23] =	ssyncadd.s32 $0xFFFFFFFF  }
0xab: {  	s26 =	simm.s32 $execute0_lowered;
	[smem:$0x3FD2] =	sst s25  }
0xac: {  	s5 =	sshll.u32 s26, $0x1;
	_ =	strace $0x80000046;
	[dreg:$0x1] =	wrdreg $0xFFFFFFFF  }
0xad: {  	s28 =	simm.s32 $_size_execute0_lowered;
	s3 =	sadd.s32 s3, s5;
	[dreg:$0x0] =	wrdreg $0x0  }
0xae: {  	s5 =	sshll.u32 s28, $0x1;
	[dreg:$0x2] =	wrdreg s3  }
0xaf: {  	[dreg:$0x3] =	wrdreg s5  }
0xb0: {  	[dreg:$0x4] =	wrdreg $0xC0  }
0xb1: {  	_ =	task [dreg:s7], $0x5FFFF  }
0xb2: {  	[dreg:$0x1] =	wrdreg $0xFFFFFFFF  }
0xb3: {  	[dreg:$0x0] =	wrdreg $0x60  }
0xb4: {  	[dreg:$0x2] =	wrdreg s16  }
0xb5: {  	[dreg:$0x3] =	wrdreg s24  }
0xb6: {  	[dreg:$0x4] =	wrdreg $0x9  }
0xb7: {  	_ =	task.clear_ibuf [dreg:s7], $0x5FFFF;
	_ =	strace $0x90000046  }
0xb8: {  	s29 =	simm.s32 $0x9;
	_ =	strace $0x80000048  }
0xb9: {  	_ =	swait.ge [sflag:s29], $0x1  }
0xba: {  	[sflag:s29] =	ssyncadd.s32 $0xFFFFFFFF  }
0xbb: {  	_ =	strace $0x90000048  }
0xbc: {  	_ =	sfence  }
0xbd: {  	s30 =	sld [smem:$0x0];
	_ =	sdelay $0x2  }
0xbe: {  	s31 =	sshll.u32 s1, $0xD;
	s1 =	sshrl.u32 s1, $0x2  }
0xbf: {  	s3 =	sand.u32 $0x4000, s31;
	s1 =	sadd.s32 s1, s30  }
0xc0: {  	s0 =	sor.u32 s3, s0;
	s1 =	sshll.u32 s1, $0x11  }
0xc1: {  	s0 =	sor.u32 s1, s0  }
0xc2: {  	s0 =	sadd.s32 $0x8F2B, s0  }
0xc3: {  	[sflag:s0] =	ssyncadd.remote.s32 $0x1  }
0xc4: {  	_ =	sfence.sel $0xFFFF  }
0xc5: {  	[dreg:$0x0] =	wrdreg $0xFFFFFFFF;
	(pc) =	sbr.abs _section_cstart, $3  }
0xc6: {  	[dreg:$0x1] =	wrdreg $0xFFFFFFFF  }
0xc7: {  	_ =	task.clear_ibuf [dreg:s7], $0x2FFFF;
	_ =	strace $0x9FFFFFFF  }
0xc8: {  	(tm) =	ssettm $0x7FFFFFFF  }
0xc9: {  	_ =	shalt  }
tec
execute0_lowered:
.L_overlay_start_1:
0x0: {  	(tag) =	ssettag $0x1  }
0x1: {  	s3 =	rddreg [dreg:$0x0]  }
0x2: {  	s4 =	rddreg [dreg:$0x1]  }
0x3: {  	s0 =	rddreg [dreg:$0x2]  }
0x4: {  	s5 =	srdreg.scid;
	s2 =	simm.s32 $0x0;
	s1 =	stileid.u32  }
0x5: {  	s31 =	simm.s32 $0x200;
	s5 =	sand.u32 $0x1, s5;
	[smem:$0x7FF] =	sst s2  }
0x6: {  	s6 =	sshll.u32 s1, $0x7;
	s7 =	sshll.u32 s5, $0x6;
	_ =	strace $0x80000047  }
0x7: {  	v0 =	vlaneseq.u32;
	s5 =	ssub.s32 $0x2, s5;
	[dreg:$0x5] =	wrdreg s31;
	s6 =	sor.u32 s7, s6  }
0x8: {  	v1 =	vor.u32 $0x80000010, v0;
	s28 =	sshrl.u32 s5, $0x1;
	s4 =	sadd.s32 s6, s4;
	s3 =	sadd.s32 s3, s6  }
0x9: {  	v2 =	vor.u32 $0x80000000, v0;
	v3 =	vor.u32 $0x80000020, v0;
	v4 =	vor.u32 $0x80000030, v0;
	s30 =	ssub.s32 s5, s28;
	[dreg:$0x3] =	wrdreg s3;
	s29 =	sadd.s32 $0xA00, s4  }
0xa: {  	v5 =	vor.u32 $0x10, v0;
	v6 =	vor.u32 $0x20, v0;
	v7 =	vor.u32 $0x30, v0;
	s3 =	smax.u32 s30, $0x1;
	s4 =	simm.s32 $0x1;
	[dreg:$0x4] =	wrdreg s29  }
.LBB2_1:
0xb: {  	s5 =	rddreg [dreg:$0x3]  }
0xc: {  	[tilespmem:s2], [sflag:$0x1] =	stream.linear.gather [hbm4b:s5+s2], $0x200, $0x38;
	[tilespmem:$0x400] =	vst v63  }
0xd: {  	_ =	swait.ge [sflag:s4], $0x200  }
0xe: {  	[sflag:s4] =	ssyncset.done $0x0  }
0xf: {  	[sflag:s4] =	ssyncadd.s32 $0xFFFFFE00  }
0x10: {  	v8 =	vld [tilespmem:$0x0]  }
0x11: {  	v9 =	vld [tilespmem:$0x10]  }
0x12: {  	v10 =	vld [tilespmem:$0x20]  }
0x13: {  	v11 =	vld [tilespmem:$0x30];
	_ =	sdelay $0x2  }
0x14: {  	v12 =	vmax.f32 v8, v9  }
0x15: {  	v12 =	vmax.f32 v12, v10  }
0x16: {  	v12 =	vmax.f32 v12, v11  }
0x17: {  	(xrf0) =	vmax.scan.msk.f32 $0xffff, v12;
	_ =	sdelay $0x5  }
0x18: {  	v12, _, _ =	vpop (xrf0)  }
0x19: {  	v13 =	vbroadcast v12, $0xF;
	_ =	sdelay $0x1  }
0x1a: {  	vm0 =	veq.f32 v8, v13  }
0x1b: {  	vm12 =	veq.f32 v9, v13;
	v14 =	vnsel vm0, $0x80000080, v2  }
0x1c: {  	v43 =	vnsel vm12, $0x80000080, v1;
	(xrf0) =	vmin.scan.msk.u32 $0xffff, v14  }
0x1d: {  	vm13 =	veq.f32 v10, v13;
	(xrf0) =	vmin.scan.msk.u32 $0xffff, v43  }
0x1e: {  	v44 =	vnsel vm13, $0x80000080, v3  }
0x1f: {  	vm14 =	veq.f32 v11, v13;
	(xrf0) =	vmin.scan.msk.u32 $0xffff, v44  }
0x20: {  	v13 =	vnsel vm14, $0x80000080, v4  }
0x21: {  	(xrf0) =	vmin.scan.msk.u32 $0xffff, v13  }
0x22: {  	(v2sf) =	vpush v12, $0xF;
	v45, _, _ =	vpop (xrf0)  }
0x23: {  	(v2sf) =	vpush v45, $0xF;
	v46, _, _ =	vpop (xrf0)  }
0x24: {  	(v2sf) =	vpush v46, $0xF  }
0x25: {  	v47, _, _ =	vpop (xrf0)  }
0x26: {  	(v2sf) =	vpush v47, $0xF  }
0x27: {  	v48, _, _ =	vpop (xrf0)  }
0x28: {  	(v2sf) =	vpush v48, $0xF;
	_ =	sdelay $0x8  }
0x29: {  	s6 =	spop (v2sf)  }
0x2a: {  	s21 =	spop (v2sf)  }
0x2b: {  	s7 =	spop (v2sf)  }
0x2c: {  	s5 =	sxor.u32 $0x80000000, s21;
	s7 =	sxor.u32 $0x80000000, s7  }
0x2d: {  	s8 =	spop (v2sf);
	p0 =	slt.s32 s5, s7  }
0x2e: {  	s7 =	smov.u32 @p0 s5;
	s5 =	sxor.u32 $0x80000000, s8  }
0x2f: {  	s22 =	spop (v2sf);
	p0 =	slt.s32 s7, s5  }
0x30: {  	s5 =	smov.u32 @p0 s7;
	s7 =	sxor.u32 $0x80000000, s22  }
0x31: {  	p0 =	slt.s32 s5, s7  }
0x32: {  	s7 =	smov.u32 @p0 s5  }
0x33: {  	p0 =	slt.s32 s7, $0x80  }
0x34: {  	s7 =	simm.s32 @!p0 $0x80  }
0x35: {  	v49 =	vmov s7  }
0x36: {  	vm3 =	veq.s32 v49, v0;
	vm2 =	veq.s32 v49, v5  }
0x37: {  	vm15 =	veq.s32 v49, v6;
	v8 =	vsel vm3, $0xF149F2CA, v8;
	v9 =	vsel vm2, $0xF149F2CA, v9  }
0x38: {  	vm1 =	veq.s32 v49, v7;
	v10 =	vsel vm15, $0xF149F2CA, v10;
	v51 =	vmax.f32 v8, v9  }
0x39: {  	v11 =	vsel vm1, $0xF149F2CA, v11;
	v12 =	vmax.f32 v51, v10  }
0x3a: {  	v12 =	vmax.f32 v12, v11  }
0x3b: {  	(xrf0) =	vmax.scan.msk.f32 $0xffff, v12;
	_ =	sdelay $0x5  }
0x3c: {  	v52 =	vld [tilespmem:$0x80];
	v12, _, _ =	vpop (xrf0)  }
0x3d: {  	v15 =	vld [tilespmem:$0x90];
	v53 =	vbroadcast v12, $0xF  }
0x3e: {  	v16 =	vld [tilespmem:$0xA0]  }
0x3f: {  	vm4 =	veq.f32 v8, v53;
	v8 =	vld [tilespmem:$0xB0]  }
0x40: {  	vm0 =	veq.f32 v9, v53;
	v17 =	vnsel vm4, $0x80000080, v2  }
0x41: {  	vm8 =	veq.f32 v10, v53;
	v9 =	vnsel vm0, $0x80000080, v1;
	(xrf0) =	vmin.scan.msk.u32 $0xffff, v17  }
0x42: {  	v55 =	vmax.f32 v52, v15;
	vm9 =	veq.f32 v11, v53;
	v54 =	vnsel vm8, $0x80000080, v3;
	(xrf0) =	vmin.scan.msk.u32 $0xffff, v9  }
0x43: {  	v10 =	vmax.f32 v55, v16;
	v56 =	vnsel vm9, $0x80000080, v4;
	(xrf0) =	vmin.scan.msk.u32 $0xffff, v54  }
0x44: {  	(xrf0) =	vmin.scan.msk.u32 $0xffff, v56;
	v57 =	vmax.f32 v10, v8  }
0x45: {  	(xrf0) =	vmax.scan.msk.f32 $0xffff, v57;
	_ =	sdelay $0x1  }
0x46: {  	v58, _, _ =	vpop (xrf0)  }
0x47: {  	v59, _, _ =	vpop (xrf0)  }
0x48: {  	v60, _, _ =	vpop (xrf0)  }
0x49: {  	v61, _, _ =	vpop (xrf0)  }
0x4a: {  	v62, _, _ =	vpop (xrf0)  }
0x4b: {  	v18 =	vbroadcast v62, $0xF;
	_ =	sdelay $0x1  }
0x4c: {  	vm10 =	veq.f32 v52, v18  }
0x4d: {  	vm11 =	veq.f32 v15, v18;
	v19 =	vnsel vm10, $0x80000080, v2  }
0x4e: {  	v63 =	vnsel vm11, $0x80000080, v1;
	(xrf0) =	vmin.scan.msk.u32 $0xffff, v19  }
0x4f: {  	(v2sf) =	vpush v12, $0xF;
	vm12 =	veq.f32 v16, v18;
	(xrf0) =	vmin.scan.msk.u32 $0xffff, v63  }
0x50: {  	(v2sf) =	vpush v58, $0xF;
	v20 =	vnsel vm12, $0x80000080, v3  }
0x51: {  	(v2sf) =	vpush v59, $0xF;
	vm13 =	veq.f32 v8, v18;
	(xrf0) =	vmin.scan.msk.u32 $0xffff, v20  }
0x52: {  	(v2sf) =	vpush v60, $0xF;
	v21 =	vnsel vm13, $0x80000080, v4  }
0x53: {  	(v2sf) =	vpush v61, $0xF;
	(xrf0) =	vmin.scan.msk.u32 $0xffff, v21  }
0x54: {  	(v2sf) =	vpush v62, $0xF;
	v22, _, _ =	vpop (xrf0)  }
0x55: {  	(v2sf) =	vpush v22, $0xF;
	v23, _, _ =	vpop (xrf0)  }
0x56: {  	(v2sf) =	vpush v23, $0xF  }
0x57: {  	v24, _, _ =	vpop (xrf0)  }
0x58: {  	(v2sf) =	vpush v24, $0xF  }
0x59: {  	v25, _, _ =	vpop (xrf0)  }
0x5a: {  	(v2sf) =	vpush v25, $0xF;
	_ =	sdelay $0x3  }
0x5b: {  	s13 =	spop (v2sf)  }
0x5c: {  	s8 =	spop (v2sf)  }
0x5d: {  	s9 =	spop (v2sf)  }
0x5e: {  	s7 =	spop (v2sf)  }
0x5f: {  	s5 =	spop (v2sf)  }
0x60: {  	s10 =	spop (v2sf)  }
0x61: {  	s11 =	spop (v2sf)  }
0x62: {  	s12 =	spop (v2sf)  }
0x63: {  	s11 =	sxor.u32 $0x80000000, s11;
	s12 =	sxor.u32 $0x80000000, s12  }
0x64: {  	s14 =	spop (v2sf);
	p0 =	slt.s32 s11, s12  }
0x65: {  	s12 =	smov.u32 @p0 s11;
	s11 =	sxor.u32 $0x80000000, s14  }
0x66: {  	s23 =	spop (v2sf);
	p0 =	slt.s32 s12, s11  }
0x67: {  	s11 =	smov.u32 @p0 s12;
	s12 =	sxor.u32 $0x80000000, s23  }
0x68: {  	p0 =	slt.s32 s11, s12  }
0x69: {  	s12 =	smov.u32 @p0 s11  }
0x6a: {  	p0 =	slt.s32 s12, $0x80  }
0x6b: {  	s12 =	simm.s32 @!p0 $0x80  }
0x6c: {  	v26 =	vmov s12  }
0x6d: {  	vm7 =	veq.s32 v26, v0;
	vm6 =	veq.s32 v26, v5  }
0x6e: {  	vm5 =	veq.s32 v26, v6;
	v27 =	vsel vm7, $0xF149F2CA, v52;
	v28 =	vsel vm6, $0xF149F2CA, v15  }
0x6f: {  	vm4 =	veq.s32 v26, v7;
	v29 =	vsel vm5, $0xF149F2CA, v16;
	v30 =	vmax.f32 v27, v28  }
0x70: {  	v8 =	vsel vm4, $0xF149F2CA, v8;
	v9 =	vmax.f32 v30, v29  }
0x71: {  	v9 =	vmax.f32 v9, v8  }
0x72: {  	(xrf0) =	vmax.scan.msk.f32 $0xffff, v9;
	_ =	sdelay $0x5  }
0x73: {  	v31 =	vld [tilespmem:$0x100];
	v9, _, _ =	vpop (xrf0)  }
0x74: {  	v33 =	vld [tilespmem:$0x110];
	v32 =	vbroadcast v9, $0xF  }
0x75: {  	v34 =	vld [tilespmem:$0x120]  }
0x76: {  	v35 =	vld [tilespmem:$0x130];
	vm8 =	veq.f32 v27, v32  }
0x77: {  	v50 =	vimm.s32 $0x0;
	vm14 =	veq.f32 v28, v32;
	v36 =	vnsel vm8, $0x80000080, v2  }
0x78: {  	v13 =	vsel vm15, $0xFFFFFFFF, v50;
	vm15 =	veq.f32 v29, v32;
	v11 =	vnsel vm14, $0x80000080, v1;
	(xrf0) =	vmin.scan.msk.u32 $0xffff, v36  }
0x79: {  	vm0 =	veq.f32 v8, v32;
	v8 =	vmax.f32 v31, v33;
	v37 =	vnsel vm15, $0x80000080, v3;
	(xrf0) =	vmin.scan.msk.u32 $0xffff, v11  }
0x7a: {  	v38 =	vnsel vm0, $0x80000080, v4;
	v8 =	vmax.f32 v8, v34;
	(xrf0) =	vmin.scan.msk.u32 $0xffff, v37  }
0x7b: {  	v8 =	vmax.f32 v8, v35;
	(xrf0) =	vmin.scan.msk.u32 $0xffff, v38  }
0x7c: {  	(xrf0) =	vmax.scan.msk.f32 $0xffff, v8;
	_ =	sdelay $0x1  }
0x7d: {  	v8, _, _ =	vpop (xrf0)  }
0x7e: {  	v39, _, _ =	vpop (xrf0)  }
0x7f: {  	v40, _, _ =	vpop (xrf0)  }
0x80: {  	v41, _, _ =	vpop (xrf0)  }
0x81: {  	v42, _, _ =	vpop (xrf0)  }
0x82: {  	v43 =	vbroadcast v42, $0xF;
	_ =	sdelay $0x1  }
0x83: {  	vm12 =	veq.f32 v31, v43  }
0x84: {  	vm13 =	veq.f32 v33, v43;
	v44 =	vnsel vm12, $0x80000080, v2  }
0x85: {  	v45 =	vnsel vm13, $0x80000080, v1;
	(xrf0) =	vmin.scan.msk.u32 $0xffff, v44  }
0x86: {  	(v2sf) =	vpush v9, $0xF;
	vm14 =	veq.f32 v34, v43;
	(xrf0) =	vmin.scan.msk.u32 $0xffff, v45  }
0x87: {  	(v2sf) =	vpush v8, $0xF;
	vm15 =	veq.f32 v35, v43;
	v8 =	vnsel vm14, $0x80000080, v3  }
0x88: {  	(v2sf) =	vpush v39, $0xF;
	(xrf0) =	vmin.scan.msk.u32 $0xffff, v8;
	v8 =	vnsel vm15, $0x80000080, v4  }
0x89: {  	(v2sf) =	vpush v40, $0xF  }
0x8a: {  	(v2sf) =	vpush v41, $0xF;
	(xrf0) =	vmin.scan.msk.u32 $0xffff, v8  }
0x8b: {  	(v2sf) =	vpush v42, $0xF;
	v8, _, _ =	vpop (xrf0)  }
0x8c: {  	(v2sf) =	vpush v8, $0xF;
	v8, _, _ =	vpop (xrf0)  }
0x8d: {  	(v2sf) =	vpush v8, $0xF  }
0x8e: {  	v8, _, _ =	vpop (xrf0)  }
0x8f: {  	(v2sf) =	vpush v8, $0xF  }
0x90: {  	v8, _, _ =	vpop (xrf0)  }
0x91: {  	(v2sf) =	vpush v8, $0xF;
	_ =	sdelay $0x3  }
0x92: {  	s19 =	spop (v2sf)  }
0x93: {  	s14 =	spop (v2sf)  }
0x94: {  	s15 =	spop (v2sf)  }
0x95: {  	s12 =	spop (v2sf)  }
0x96: {  	s11 =	spop (v2sf)  }
0x97: {  	s17 =	spop (v2sf)  }
0x98: {  	s16 =	spop (v2sf)  }
0x99: {  	s18 =	spop (v2sf)  }
0x9a: {  	s16 =	sxor.u32 $0x80000000, s16;
	s18 =	sxor.u32 $0x80000000, s18  }
0x9b: {  	s20 =	spop (v2sf);
	p0 =	slt.s32 s16, s18  }
0x9c: {  	s18 =	smov.u32 @p0 s16;
	s16 =	sxor.u32 $0x80000000, s20  }
0x9d: {  	s24 =	spop (v2sf);
	p0 =	slt.s32 s18, s16  }
0x9e: {  	s16 =	smov.u32 @p0 s18;
	s18 =	sxor.u32 $0x80000000, s24  }
0x9f: {  	p0 =	slt.s32 s16, s18  }
0xa0: {  	s18 =	smov.u32 @p0 s16  }
0xa1: {  	p0 =	slt.s32 s18, $0x80  }
0xa2: {  	s18 =	simm.s32 @!p0 $0x80  }
0xa3: {  	v8 =	vmov s18  }
0xa4: {  	vm11 =	veq.s32 v8, v0;
	vm10 =	veq.s32 v8, v5  }
0xa5: {  	vm9 =	veq.s32 v8, v6;
	v46 =	vsel vm11, $0xF149F2CA, v31;
	v47 =	vsel vm10, $0xF149F2CA, v33  }
0xa6: {  	vm8 =	veq.s32 v8, v7;
	v48 =	vsel vm9, $0xF149F2CA, v34;
	v8 =	vmax.f32 v46, v47  }
0xa7: {  	v10 =	vsel vm8, $0xF149F2CA, v35;
	v8 =	vmax.f32 v8, v48  }
0xa8: {  	v8 =	vmax.f32 v8, v10  }
0xa9: {  	(xrf0) =	vmax.scan.msk.f32 $0xffff, v8;
	_ =	sdelay $0x5  }
0xaa: {  	v49 =	vld [tilespmem:$0x180];
	v8, _, _ =	vpop (xrf0)  }
0xab: {  	v51 =	vld [tilespmem:$0x190];
	v50 =	vbroadcast v8, $0xF  }
0xac: {  	v52 =	vld [tilespmem:$0x1A0]  }
0xad: {  	v53 =	vld [tilespmem:$0x1B0];
	vm12 =	veq.f32 v46, v50  }
0xae: {  	vm0 =	veq.f32 v47, v50;
	v54 =	vnsel vm12, $0x80000080, v2  }
0xaf: {  	v11 =	vnsel vm0, $0x80000080, v1;
	vm0 =	veq.f32 v48, v50;
	(xrf0) =	vmin.scan.msk.u32 $0xffff, v54  }
0xb0: {  	v56 =	vmax.f32 v49, v51;
	v55 =	vnsel vm0, $0x80000080, v3;
	vm0 =	veq.f32 v10, v50;
	(xrf0) =	vmin.scan.msk.u32 $0xffff, v11  }
0xb1: {  	v10 =	vmax.f32 v56, v52;
	v57 =	vnsel vm0, $0x80000080, v4;
	(xrf0) =	vmin.scan.msk.u32 $0xffff, v55  }
0xb2: {  	v10 =	vmax.f32 v10, v53;
	(xrf0) =	vmin.scan.msk.u32 $0xffff, v57  }
0xb3: {  	(xrf0) =	vmax.scan.msk.f32 $0xffff, v10;
	_ =	sdelay $0x1  }
0xb4: {  	v58, _, _ =	vpop (xrf0)  }
0xb5: {  	v59, _, _ =	vpop (xrf0)  }
0xb6: {  	v60, _, _ =	vpop (xrf0)  }
0xb7: {  	v61, _, _ =	vpop (xrf0)  }
0xb8: {  	v62, _, _ =	vpop (xrf0)  }
0xb9: {  	v63 =	vbroadcast v62, $0xF;
	_ =	sdelay $0x1  }
0xba: {  	vm0 =	veq.f32 v49, v63  }
0xbb: {  	v21 =	vnsel vm0, $0x80000080, v2;
	vm0 =	veq.f32 v51, v63  }
0xbc: {  	(xrf0) =	vmin.scan.msk.u32 $0xffff, v21;
	v22 =	vnsel vm0, $0x80000080, v1  }
0xbd: {  	(v2sf) =	vpush v8, $0xF;
	vm0 =	veq.f32 v52, v63;
	(xrf0) =	vmin.scan.msk.u32 $0xffff, v22  }
0xbe: {  	(v2sf) =	vpush v58, $0xF;
	v8 =	vnsel vm0, $0x80000080, v3;
	vm0 =	veq.f32 v53, v63  }
0xbf: {  	(v2sf) =	vpush v59, $0xF;
	(xrf0) =	vmin.scan.msk.u32 $0xffff, v8;
	v8 =	vnsel vm0, $0x80000080, v4  }
0xc0: {  	(v2sf) =	vpush v60, $0xF  }
0xc1: {  	(v2sf) =	vpush v61, $0xF;
	(xrf0) =	vmin.scan.msk.u32 $0xffff, v8  }
0xc2: {  	(v2sf) =	vpush v62, $0xF;
	v8, _, _ =	vpop (xrf0)  }
0xc3: {  	(v2sf) =	vpush v8, $0xF;
	v8, _, _ =	vpop (xrf0)  }
0xc4: {  	(v2sf) =	vpush v8, $0xF  }
0xc5: {  	v8, _, _ =	vpop (xrf0)  }
0xc6: {  	(v2sf) =	vpush v8, $0xF  }
0xc7: {  	v8, _, _ =	vpop (xrf0)  }
0xc8: {  	(v2sf) =	vpush v8, $0xF;
	_ =	sdelay $0x3  }
0xc9: {  	s23 =	spop (v2sf)  }
0xca: {  	s25 =	spop (v2sf)  }
0xcb: {  	s21 =	spop (v2sf)  }
0xcc: {  	s26 =	spop (v2sf)  }
0xcd: {  	s28 =	spop (v2sf)  }
0xce: {  	s22 =	spop (v2sf)  }
0xcf: {  	s24 =	spop (v2sf)  }
0xd0: {  	s6 =	ssub.f32 s13, s6;
	s29 =	spop (v2sf)  }
0xd1: {  	s24 =	sxor.u32 $0x80000000, s24;
	s13 =	sxor.u32 $0x80000000, s29  }
0xd2: {  	v8 =	vmov s6;
	s30 =	spop (v2sf);
	p0 =	slt.s32 s24, s13  }
0xd3: {  	v8 =	vmul.f32 $1.442695020e+00, v8;
	s6 =	sxor.u32 $0x80000000, s30;
	s13 =	smov.u32 @p0 s24  }
0xd4: {  	s31 =	spop (v2sf);
	p0 =	slt.s32 s13, s6  }
0xd5: {  	v8 =	vbroadcast v8, $0x0;
	s6 =	smov.u32 @p0 s13;
	s13 =	sxor.u32 $0x80000000, s31  }
0xd6: {  	p0 =	slt.s32 s6, s13  }
0xd7: {  	(erf) = vpow2.f32 v8;
	s13 =	smov.u32 @p0 s6  }
0xd8: {  	p0 =	slt.s32 s13, $0x80  }
0xd9: {  	s13 =	simm.s32 @!p0 $0x80  }
0xda: {  	v8 =	vmov s13  }
0xdb: {  	vm15 =	veq.s32 v8, v0;
	vm14 =	veq.s32 v8, v5  }
0xdc: {  	vm13 =	veq.s32 v8, v6;
	v23 =	vsel vm15, $0xF149F2CA, v49;
	v24 =	vsel vm14, $0xF149F2CA, v51  }
0xdd: {  	s19 =	ssub.f32 s19, s10;
	vm12 =	veq.s32 v8, v7;
	v25 =	vsel vm13, $0xF149F2CA, v52;
	v8 =	vmax.f32 v23, v24  }
0xde: {  	v9 =	vsel vm12, $0xF149F2CA, v53;
	v8 =	vmax.f32 v8, v25  }
0xdf: {  	v26 =	vmov s19;
	v8 =	vmax.f32 v8, v9  }
0xe0: {  	[tilespmem:$0x1FFF0] =	vst v13;
	v13 =	vmul.f32 $1.442695020e+00, v26;
	v27 =	vpop (erf);
	(xrf0) =	vmax.scan.msk.f32 $0xffff, v8  }
0xe1: {  	v8 =	vadd.f32 $1.000000000e+00, v27  }
0xe2: {  	v13 =	vbroadcast v13, $0x0  }
0xe3: {  	(erf) = vrcp.f32 v8  }
0xe4: {  	(erf) = vpow2.f32 v13;
	_ =	sdelay $0x1  }
0xe5: {  	v8, _, _ =	vpop (xrf0)  }
0xe6: {  	(v2sf) =	vpush v8, $0xF;
	_ =	sdelay $0x2  }
0xe7: {  	s23 =	ssub.f32 s23, s17;
	_ =	sdelay $0x1  }
0xe8: {  	v29 =	vmov s23;
	v28 =	vpop (erf)  }
0xe9: {  	v14 =	vmul.f32 $1.442695020e+00, v29;
	v8 =	vbroadcast v8, $0xF;
	v30 =	vpop (erf)  }
0xea: {  	v15 =	vadd.f32 $1.000000000e+00, v30  }
0xeb: {  	v14 =	vbroadcast v14, $0x0;
	vm0 =	veq.f32 v23, v8  }
0xec: {  	v10 =	vnsel vm0, $0x80000080, v2;
	vm0 =	veq.f32 v24, v8;
	(erf) = vrcp.f32 v15  }
0xed: {  	v11 =	vnsel vm0, $0x80000080, v1;
	(xrf0) =	vmin.scan.msk.u32 $0xffff, v10;
	(erf) = vpow2.f32 v14  }
0xee: {  	(xrf0) =	vmin.scan.msk.u32 $0xffff, v11;
	_ =	sdelay $0x1  }
0xef: {  	vm0 =	veq.f32 v25, v8  }
0xf0: {  	v31 =	vnsel vm0, $0x80000080, v3  }
0xf1: {  	vm0 =	veq.f32 v9, v8;
	(xrf0) =	vmin.scan.msk.u32 $0xffff, v31;
	s24 =	spop (v2sf)  }
0xf2: {  	v8 =	vnsel vm0, $0x80000080, v4;
	v32, _, _ =	vpop (xrf0);
	s6 =	ssub.f32 s24, s22  }
0xf3: {  	(xrf0) =	vmin.scan.msk.u32 $0xffff, v8;
	v33, _, _ =	vpop (xrf0)  }
0xf4: {  	v34 =	vpop (erf);
	v8 =	vmov s6  }
0xf5: {  	(v2sf) =	vpush v32, $0xF;
	v35 =	vpop (erf);
	v8 =	vmul.f32 $1.442695020e+00, v8  }
0xf6: {  	(v2sf) =	vpush v33, $0xF;
	v36 =	vadd.f32 $1.000000000e+00, v35  }
0xf7: {  	v37, _, _ =	vpop (xrf0);
	v8 =	vbroadcast v8, $0x0  }
0xf8: {  	(v2sf) =	vpush v37, $0xF;
	s6 =	sxor.u32 $0x80000000, s8;
	s8 =	sxor.u32 $0x80000000, s9;
	(erf) = vrcp.f32 v36  }
0xf9: {  	v38, _, _ =	vpop (xrf0);
	p0 =	slt.s32 s6, s8;
	(erf) = vpow2.f32 v8  }
0xfa: {  	(v2sf) =	vpush v38, $0xF;
	s8 =	smov.u32 @p0 s6;
	s6 =	sxor.u32 $0x80000000, s7  }
0xfb: {  	s9 =	sxor.u32 $0x80000000, s15;
	s7 =	sxor.u32 $0x80000000, s14;
	p0 =	slt.s32 s8, s6  }
0xfc: {  	s5 =	sxor.u32 $0x80000000, s5;
	s6 =	smov.u32 @p0 s8;
	p0 =	slt.s32 s7, s9  }
0xfd: {  	s9 =	smov.u32 @p0 s7;
	p0 =	slt.s32 s6, s5;
	s7 =	sxor.u32 $0x80000000, s12  }
0xfe: {  	s5 =	smov.u32 @p0 s6;
	p0 =	slt.s32 s9, s7  }
0xff: {  	s6 =	sxor.u32 $0x80000000, s11;
	s7 =	smov.u32 @p0 s9;
	p0 =	slt.s32 s5, $0x80  }
0x100: {  	v45 =	vld [tilespmem:$0x1FFF0];
	v40 =	vsub.f32 $1.000000000e+00, v28;
	s5 =	simm.s32 @!p0 $0x80;
	p0 =	slt.s32 s7, s6  }
0x101: {  	v41 =	vnsel vm3, $0x0, v28;
	v42 =	vnsel vm2, $0x0, v28;
	v8 =	vmov s5;
	s6 =	smov.u32 @p0 s7;
	s5 =	sxor.u32 $0x80000000, s25;
	s7 =	sxor.u32 $0x80000000, s21;
	v39 =	vpop (erf)  }
0x102: {  	v13 =	vnsel vm1, $0x0, v28;
	v46 =	vsub.f32 $1.000000000e+00, v34;
	v47 =	vnsel vm7, $0x0, v34;
	p1 =	slt.s32 s5, s7;
	v43 =	vpop (erf)  }
0x103: {  	v48 =	vnsel vm6, $0x0, v34;
	vm0 =	veq.s32 v8, v0;
	p0 =	slt.s32 s6, $0x80;
	s7 =	smov.u32 @p1 s5;
	s5 =	sxor.u32 $0x80000000, s26;
	v15 =	vadd.f32 $1.000000000e+00, v43  }
0x104: {  	s25 =	spop (v2sf);
	vm2 =	veq.s32 v8, v5;
	vm1 =	veq.s32 v8, v7;
	v12 =	vsel vm0, v40, v41;
	s6 =	simm.s32 @!p0 $0x80;
	p0 =	slt.s32 s7, s5  }
0x105: {  	s8 =	sxor.u32 $0x80000000, s28;
	v14 =	vsel vm2, v40, v42;
	vm0 =	vnez.u8 v45;
	s26 =	spop (v2sf);
	s5 =	smov.u32 @p0 s7;
	(erf) = vrcp.f32 v15  }
0x106: {  	v44 =	vmov s6;
	v17 =	vnsel vm0, $0x0, v28;
	vm0 =	veq.s32 v8, v6;
	[tilespmem:$0x200] =	vst v12;
	s6 =	sxor.u32 $0x80000000, s25;
	s7 =	sxor.u32 $0x80000000, s26;
	p0 =	slt.s32 s5, s8  }
0x107: {  	v49 =	vnsel vm4, $0x0, v34;
	v10 =	vsel vm1, v40, v13;
	s28 =	spop (v2sf);
	[tilespmem:$0x210] =	vst v14;
	v8 =	vsel vm0, v40, v17;
	s8 =	smov.u32 @p0 s5;
	p0 =	slt.s32 s6, s7  }
0x108: {  	[tilespmem:$0x230] =	vst v10;
	vm0 =	veq.s32 v44, v0;
	vm6 =	veq.s32 v44, v5;
	vm7 =	veq.s32 v44, v6;
	s5 =	sxor.u32 $0x80000000, s28;
	s7 =	smov.u32 @p0 s6;
	p0 =	slt.s32 s8, $0x80  }
0x109: {  	v51 =	vsub.f32 $1.000000000e+00, v39;
	vm4 =	veq.s32 v44, v7;
	[tilespmem:$0x220] =	vst v8;
	v13 =	vsel vm0, v46, v47;
	s29 =	spop (v2sf);
	s8 =	simm.s32 @!p0 $0x80;
	p0 =	slt.s32 s7, s5  }
0x10a: {  	v52 =	vnsel vm11, $0x0, v39;
	v54 =	vnsel vm9, $0x0, v39;
	v14 =	vsel vm6, v46, v48;
	[tilespmem:$0x280] =	vst v13;
	s6 =	sxor.u32 $0x80000000, s29;
	s5 =	smov.u32 @p0 s7  }
0x10b: {  	v8 =	vnsel vm5, $0x0, v34;
	v10 =	vsel vm4, v46, v49;
	[tilespmem:$0x290] =	vst v14;
	v50 =	vmov s8;
	p0 =	slt.s32 s5, s6  }
0x10c: {  	v9 =	vnsel vm8, $0x0, v39;
	v8 =	vsel vm7, v46, v8;
	[tilespmem:$0x2B0] =	vst v10;
	vm5 =	veq.s32 v50, v0;
	s6 =	smov.u32 @p0 s5  }
0x10d: {  	[tilespmem:$0x2A0] =	vst v8;
	v8 =	vnsel vm10, $0x0, v39;
	vm6 =	veq.s32 v50, v5;
	v53 =	vsel vm5, v51, v52;
	p0 =	slt.s32 s6, $0x80  }
0x10e: {  	vm7 =	veq.s32 v50, v6;
	vm9 =	veq.s32 v50, v7;
	v8 =	vsel vm6, v51, v8;
	[tilespmem:$0x300] =	vst v53;
	s6 =	simm.s32 @!p0 $0x80;
	v55 =	vpop (erf)  }
0x10f: {  	v10 =	vsel vm7, v51, v54;
	[tilespmem:$0x310] =	vst v8;
	v8 =	vmov s6;
	v56 =	vsub.f32 $1.000000000e+00, v55  }
0x110: {  	v9 =	vsel vm9, v51, v9;
	[tilespmem:$0x320] =	vst v10;
	vm10 =	veq.s32 v8, v0;
	v57 =	vnsel vm15, $0x0, v55  }
0x111: {  	[tilespmem:$0x330] =	vst v9;
	vm11 =	veq.s32 v8, v5;
	v59 =	vnsel vm14, $0x0, v55;
	v58 =	vsel vm10, v56, v57  }
0x112: {  	v61 =	vnsel vm13, $0x0, v55;
	vm14 =	veq.s32 v8, v6;
	v60 =	vsel vm11, v56, v59;
	[tilespmem:$0x380] =	vst v58  }
0x113: {  	v63 =	vnsel vm12, $0x0, v55;
	vm15 =	veq.s32 v8, v7;
	v62 =	vsel vm14, v56, v61;
	[tilespmem:$0x390] =	vst v60  }
0x114: {  	s30 =	rddreg [dreg:$0x4];
	p0 =	sne.s32 s3, $0x1;
	v8 =	vsel vm15, v56, v63;
	[tilespmem:$0x3A0] =	vst v62  }
.Ltmp0:
0x115: {  	s31 =	rddreg [dreg:$0x5];
	[tilespmem:$0x3B0] =	vst v8;
	(pc) =	sbr.rel @p0 .LBB2_1-.Ltmp0, $4  }
0x116: {  	[hbm4b:s30+s2] =	stream.linear.scatter [tilespmem:s31], [sflag:$0x1], $0x200, $0x38;
	[tilespmem:$0x400] =	vst v63  }
0x117: {  	_ =	swait.ge [sflag:s4], $0x200  }
0x118: {  	[sflag:s4] =	ssyncset.done $0x0  }
0x119: {  	s3 =	sadd.s32 $0xFFFFFFFF, s3;
	[sflag:s4] =	ssyncadd.s32 $0xFFFFFE00  }
0x11a: {  	_ =	sfence.sel $0x180000  }
0x11b: {  	[bflag:$0x0] =	sbarrier.arrive $0xFFFF  }
0x11c: {  	p0 =	sne.s32 s1, $0x0;
	_ =	strace $0x90000047  }
0x11d: {  	s0 =	sadd.s32 @!p0 $0x100000, s0;
	[bflag:$0x2] =	sbarrier.arrive $0xFFFF  }
0x11e: {  	[sflag:s0] =	ssyncadd.tile.s32 @!p0 $0x1;
	_ =	shalt  }
.Lfunc_end2:
_tile_overlayer_lowered:
.L_overlay_start_2:
0x11f: {  	(tag) =	ssettag $0x2  }
0x120: {  	s0 =	rddreg [dreg:$0x0];
	s2 =	stileid.u32  }
0x121: {  	s1 =	rddreg [dreg:$0x1];
	p0 =	sne.s32 s2, $0x0  }
0x122: {  	s3 =	rddreg [dreg:$0x2];
	[bflag:$0x3] =	sbarrier.arrive $0xFFFF;
	s2 =	simm.s32 @!p0 $0x1C01  }
0x123: {  	[timem:s3], [sflag:s2] =	dma.local @!p0 [hbm:s0], s1  }
0x124: {  	s0 =	simm.s32 @!p0 $0x1  }
0x125: {  	_ =	swait.ge @!p0 [sflag:s0], s1  }
0x126: {  	s1 =	ssub.s32 @!p0 $0x0, s1;
	[sflag:s0] =	ssyncset.done @!p0 $0x0  }
0x127: {  	[sflag:s0] =	ssyncadd.s32 @!p0 s1  }
0x128: {  	[bflag:$0x3] =	sbarrier.arrive $0xFFFF  }
0x129: {  	_ =	shalt  }

</sc_bundles>
